<compile_context>
chip_gen: v7x
topology: tpu7x:2x2x1
jax: 0.10.2.dev20260603
libtpu: 0.0.44.dev20260713+nightly
codegen_flags: <defaults>
</compile_context>

<pallas_src>
import functools

import jax
import jax.numpy as jnp
from jax import lax
from jax.experimental import pallas as pl
from jax.experimental.pallas import tpu as pltpu
from jax.experimental.pallas import tpu_sc as plsc

B, H, W = 16, 512, 512
NPTS = 256
NW = 32
P = 2 * B * NPTS
PPW = P // NW
LANES = 16


def _sc_gather(mask2d, px, py, nx, ny):
    mesh = plsc.VectorSubcoreMesh(core_axis_name="c", subcore_axis_name="s")
    NQ = 4
    QR = PPW // NQ

    @functools.partial(
        pl.kernel,
        out_type=jax.ShapeDtypeStruct((P,), jnp.float32),
        mesh=mesh,
        scratch_types=[
            pltpu.VMEM((PPW,), jnp.int32),
            pltpu.VMEM((PPW,), jnp.int32),
            pltpu.VMEM((PPW,), jnp.int32),
            pltpu.VMEM((QR, W), jnp.float32),
            pltpu.VMEM((QR, W), jnp.float32),
            pltpu.VMEM((PPW,), jnp.float32),
            pltpu.SemaphoreType.DMA,
            pltpu.SemaphoreType.DMA,
        ],
        compiler_params=pltpu.CompilerParams(
            use_tc_tiling_on_sc=True, needs_layout_passes=False
        ),
    )
    def k(mask_hbm, px_hbm, py_hbm, nx_hbm, ny_hbm, out_hbm,
          xv, yv, idxv, rows0, rows1, valv, sem0, sem1):
        wid = lax.axis_index("s") * 2 + lax.axis_index("c")
        base = wid * PPW
        b = wid % B
        brow = b * H
        bpt = b * NPTS

        @pl.when(wid < B)
        def _():
            pltpu.sync_copy(px_hbm.at[pl.ds(bpt, PPW)], xv)
            pltpu.sync_copy(py_hbm.at[pl.ds(bpt, PPW)], yv)

        @pl.when(wid >= B)
        def _():
            pltpu.sync_copy(nx_hbm.at[pl.ds(bpt, PPW)], xv)
            pltpu.sync_copy(ny_hbm.at[pl.ds(bpt, PPW)], yv)

        def idx_body(j, _):
            sl = pl.ds(j * LANES, LANES)
            idxv[sl] = yv[sl] + brow
            return 0

        lax.fori_loop(0, PPW // LANES, idx_body, 0)

        bufs = (rows0, rows1)
        sems = (sem0, sem1)

        def fire(q):
            return pltpu.async_copy(
                mask_hbm.at[idxv.at[pl.ds(q * QR, QR)]], bufs[q % 2],
                sems[q % 2],
            )
        handles = [fire(0), fire(1)] + [None] * (NQ - 2)
        iota = lax.iota(jnp.int32, LANES)
        for q in range(NQ):
            handles[q].wait()
            buf = bufs[q % 2]
            qb = q * QR

            def ex_body(j, _, buf=buf, qb=qb):
                sl = pl.ds(qb + j * LANES, LANES)
                valv[sl] = plsc.load_gather(buf, [j * LANES + iota, xv[sl]])
                return 0

            lax.fori_loop(0, QR // LANES, ex_body, 0)
            if q + 2 < NQ:
                handles[q + 2] = fire(q + 2)
        pltpu.sync_copy(valv, out_hbm.at[pl.ds(base, PPW)])

    return k(mask2d, px, py, nx, ny)


def _tc_reduce_body(v_ref, o_ref):
    v = v_ref[:]
    t = (lax.broadcasted_iota(jnp.int32, v.shape, 0) < 32).astype(jnp.float32)
    loss = jnp.maximum(v, 0.0) - v * t + jnp.log1p(jnp.exp(-jnp.abs(v)))
    o_ref[0, 0] = jnp.sum(loss) * (1.0 / P)


def _tc_reduce(vals):
    return pl.pallas_call(
        _tc_reduce_body,
        out_shape=jax.ShapeDtypeStruct((1, 1), jnp.float32),
        in_specs=[pl.BlockSpec(memory_space=pltpu.VMEM)],
        out_specs=pl.BlockSpec(memory_space=pltpu.SMEM),
    )(vals)


def kernel(pred_mask, positive_points, negative_points):
    pp = positive_points.astype(jnp.int32)
    np_ = negative_points.astype(jnp.int32)
    vals = _sc_gather(
        pred_mask.reshape(B * H, W),
        pp[:, :, 0].reshape(-1),
        pp[:, :, 1].reshape(-1),
        np_[:, :, 0].reshape(-1),
        np_[:, :, 1].reshape(-1),
    )
    return _tc_reduce(vals.reshape(P // 128, 128))[0, 0]

# --- scband reference (transcript-rebuilt; emitter-appended) ---
"""Pipeline reference for scband-point-click-loss-3229815407132 (READ-ONLY COPY).

The authoritative reference and input builder live on the scoring server;
editing this copy changes nothing except your own understanding.
"""

import jax, jax.numpy as jnp
import numpy as np

B, C, H, W = 16, 1, 512, 512
NPOS, NNEG = 256, 256

def setup_inputs(seed: int = 0) -> dict:
    key = jax.random.key(seed)
    k1, k2, k3 = jax.random.split(key, 3)
    pred_mask = jax.random.normal(k1, (B, C, H, W), dtype=jnp.float32)
    positive_points = jax.random.randint(k2, (B, NPOS, 2), 0, 512, dtype=jnp.int64 if jax.config.jax_enable_x64 else jnp.int32)
    negative_points = jax.random.randint(k3, (B, NNEG, 2), 0, 512, dtype=jnp.int64 if jax.config.jax_enable_x64 else jnp.int32)
    return {"pred_mask": pred_mask, "positive_points": positive_points, "negative_points": negative_points}

def _grid_sample_points(mask2d, pts):
    # mask2d: [H, W]; pts: [N, 2] (x, y) pixel coords
    pts = pts.astype(jnp.float32)
    # normalize to [-1, 1] as in the torch module
    xn = 2.0 * pts[:, 0] / (W - 1) - 1.0
    yn = 2.0 * pts[:, 1] / (H - 1) - 1.0
    # grid_sample align_corners=True unnormalization
    ix = (xn + 1.0) / 2.0 * (W - 1)
    iy = (yn + 1.0) / 2.0 * (H - 1)
    x0 = jnp.floor(ix).astype(jnp.int32)
    y0 = jnp.floor(iy).astype(jnp.int32)
    x1 = x0 + 1
    y1 = y0 + 1
    wx1 = ix - x0.astype(jnp.float32)
    wx0 = 1.0 - wx1
    wy1 = iy - y0.astype(jnp.float32)
    wy0 = 1.0 - wy1
    def gather(yy, xx):
        inb = (xx >= 0) & (xx <= W - 1) & (yy >= 0) & (yy <= H - 1)
        v = mask2d[jnp.clip(yy, 0, H - 1), jnp.clip(xx, 0, W - 1)]
        return jnp.where(inb, v, 0.0)  # padding_mode='zeros'
    out = (wy0 * wx0 * gather(y0, x0) + wy0 * wx1 * gather(y0, x1)
           + wy1 * wx0 * gather(y1, x0) + wy1 * wx1 * gather(y1, x1))
    return out

def _bce_with_logits(x, target):
    # numerically stable BCEWithLogits: max(x,0) - x*t + log(1+exp(-|x|))
    return jnp.maximum(x, 0.0) - x * target + jnp.log1p(jnp.exp(-jnp.abs(x)))

def reference(pred_mask, positive_points, negative_points):
    pm = pred_mask
    if pm.ndim == 3:
        pm = pm[:, None, :, :]
    masks = pm[:, 0, :, :]  # [B, H, W]
    def per_batch(mask2d, pos_pts, neg_pts):
        s_pos = _grid_sample_points(mask2d, pos_pts)
        pos_loss = _bce_with_logits(s_pos, 1.0).mean()
        s_neg = _grid_sample_points(mask2d, neg_pts)
        neg_loss = _bce_with_logits(s_neg, 0.0).mean()
        return pos_loss, neg_loss
    pos_losses, neg_losses = jax.vmap(per_batch)(masks, positive_points, negative_points)
    total_loss = (pos_losses + neg_losses) / 2.0
    return total_loss.mean()  # reduction='mean'

if False:  # reference __main__ guard neutralized (emitter)
    out = reference(**setup_inputs())
    print(out)

if __name__ == "__main__":
    import jax
    _d = setup_inputs()
    print(jax.jit(kernel)(*tuple(_d.values())))

</pallas_src>

<mosaic_0001>
#map = affine_map<(d0, d1) -> (0, 0)>
#map1 = affine_map<(d0, d1) -> (0)>
module attributes {stable_mosaic.version = 14 : i64} {
  func.func @k(%arg0: i32, %arg1: i32, %arg2: memref<8192x512xf32, #tpu.memory_space<hbm>>, %arg3: memref<4096xi32, #tpu.memory_space<hbm>>, %arg4: memref<4096xi32, #tpu.memory_space<hbm>>, %arg5: memref<4096xi32, #tpu.memory_space<hbm>>, %arg6: memref<4096xi32, #tpu.memory_space<hbm>>, %arg7: memref<8192xf32, #tpu.memory_space<hbm>>, %arg8: memref<256xi32, #tpu.memory_space<vmem>>, %arg9: memref<256xi32, #tpu.memory_space<vmem>>, %arg10: memref<256xi32, #tpu.memory_space<vmem>>, %arg11: memref<64x512xf32, #tpu.memory_space<vmem>>, %arg12: memref<64x512xf32, #tpu.memory_space<vmem>>, %arg13: memref<256xf32, #tpu.memory_space<vmem>>, %arg14: memref<!tpu.dma_semaphore, #tpu.memory_space<semaphore_mem>>, %arg15: memref<!tpu.dma_semaphore, #tpu.memory_space<semaphore_mem>>) attributes {dimension_semantics = [#tpu.dimension_semantics<core_parallel>, #tpu.dimension_semantics<subcore_parallel>], iteration_bounds = array<i64: 2, 16>, scalar_prefetch = 0 : i64, scratch_operands = 8 : i64, tpu.core_type = #tpu.core_type<sc_vector_subcore>, window_params = [{transform_indices = #map}, {transform_indices = #map1}, {transform_indices = #map1}, {transform_indices = #map1}, {transform_indices = #map1}, {transform_indices = #map1}]} {
    %mul3A = arith.constant 2 : i32
    %mul3A_0 = arith.muli %arg1, %mul3A : i32
    %add3A = arith.addi %mul3A_0, %arg0 : i32
    %mul3A_1 = arith.constant 256 : i32
    %mul3A_2 = arith.muli %add3A, %mul3A_1 : i32
    %jit3A = arith.constant 16 : i32
    %eq3A = arith.constant 0 : i32
    %eq3A_3 = arith.cmpi eq, %jit3A, %eq3A : i32
    %jit3A_4 = arith.constant 1 : i32
    %select_n3A = arith.select %eq3A_3, %jit3A_4, %jit3A : i32
    %rem3A = arith.remsi %add3A, %select_n3A : i32
    %ne3A = arith.constant 0 : i32
    %ne3A_5 = arith.cmpi ne, %rem3A, %ne3A : i32
    %lt3A = arith.constant 0 : i32
    %lt3A_6 = arith.cmpi slt, %rem3A, %lt3A : i32
    %lt3A_7 = arith.constant 0 : i32
    %lt3A_8 = arith.cmpi slt, %select_n3A, %lt3A_7 : i32
    %ne3A_9 = arith.xori %lt3A_6, %lt3A_8 : i1
    %and3A = arith.andi %ne3A_9, %ne3A_5 : i1
    %add3A_10 = arith.addi %rem3A, %select_n3A : i32
    %select_n3A_11 = arith.select %and3A, %add3A_10, %rem3A : i32
    %mul3A_12 = arith.constant 512 : i32
    %mul3A_13 = arith.muli %select_n3A_11, %mul3A_12 : i32
    %mul3A_14 = arith.constant 256 : i32
    %mul3A_15 = arith.muli %select_n3A_11, %mul3A_14 : i32
    %lt3A_16 = arith.constant 16 : i32
    %lt3A_17 = arith.cmpi slt, %add3A, %lt3A_16 : i32
    %convert_element_type3A = arith.extui %lt3A_17 : i1 to i32
    %cond3A = arith.constant 0 : i32
    %cond3A_18 = arith.cmpi ne, %convert_element_type3A, %cond3A : i32
    scf.if %cond3A_18 {
      "tpu.region"() ({
        %run_scoped3A = tpu.sem_alloc : memref<!tpu.dma_semaphore, #tpu.memory_space<semaphore_mem>>
        %dma_start3A_95 = tpu.memref_slice %arg3[%mul3A_15] : memref<4096xi32, #tpu.memory_space<hbm>> -> memref<256xi32, #tpu.memory_space<hbm>>
        %dma_start3A_96 = tpu.memref_slice %arg3[%mul3A_15] : memref<4096xi32, #tpu.memory_space<hbm>> -> memref<256xi32, #tpu.memory_space<hbm>>
        tpu.enqueue_dma source(%dma_start3A_96 : memref<256xi32, #tpu.memory_space<hbm>>) target(%arg8 : memref<256xi32, #tpu.memory_space<vmem>>) target_semaphore(%run_scoped3A : memref<!tpu.dma_semaphore, #tpu.memory_space<semaphore_mem>>)
        %dma_wait3A_97 = tpu.memref_slice %arg3[%mul3A_15] : memref<4096xi32, #tpu.memory_space<hbm>> -> memref<256xi32, #tpu.memory_space<hbm>>
        %dma_wait3A_98 = tpu.memref_slice %arg3[%mul3A_15] : memref<4096xi32, #tpu.memory_space<hbm>> -> memref<256xi32, #tpu.memory_space<hbm>>
        tpu.wait_dma2 semaphore(%run_scoped3A : memref<!tpu.dma_semaphore, #tpu.memory_space<semaphore_mem>>) src(%dma_wait3A_98 : memref<256xi32, #tpu.memory_space<hbm>>) dst(%arg8 : memref<256xi32, #tpu.memory_space<vmem>>)
        tpu.yield
      }) : () -> ()
      "tpu.region"() ({
        %run_scoped3A = tpu.sem_alloc : memref<!tpu.dma_semaphore, #tpu.memory_space<semaphore_mem>>
        %dma_start3A_95 = tpu.memref_slice %arg4[%mul3A_15] : memref<4096xi32, #tpu.memory_space<hbm>> -> memref<256xi32, #tpu.memory_space<hbm>>
        %dma_start3A_96 = tpu.memref_slice %arg4[%mul3A_15] : memref<4096xi32, #tpu.memory_space<hbm>> -> memref<256xi32, #tpu.memory_space<hbm>>
        tpu.enqueue_dma source(%dma_start3A_96 : memref<256xi32, #tpu.memory_space<hbm>>) target(%arg9 : memref<256xi32, #tpu.memory_space<vmem>>) target_semaphore(%run_scoped3A : memref<!tpu.dma_semaphore, #tpu.memory_space<semaphore_mem>>)
        %dma_wait3A_97 = tpu.memref_slice %arg4[%mul3A_15] : memref<4096xi32, #tpu.memory_space<hbm>> -> memref<256xi32, #tpu.memory_space<hbm>>
        %dma_wait3A_98 = tpu.memref_slice %arg4[%mul3A_15] : memref<4096xi32, #tpu.memory_space<hbm>> -> memref<256xi32, #tpu.memory_space<hbm>>
        tpu.wait_dma2 semaphore(%run_scoped3A : memref<!tpu.dma_semaphore, #tpu.memory_space<semaphore_mem>>) src(%dma_wait3A_98 : memref<256xi32, #tpu.memory_space<hbm>>) dst(%arg9 : memref<256xi32, #tpu.memory_space<vmem>>)
        tpu.yield
      }) : () -> ()
    } else {
    }
    %ge3A = arith.constant 16 : i32
    %ge3A_19 = arith.cmpi sge, %add3A, %ge3A : i32
    %convert_element_type3A_20 = arith.extui %ge3A_19 : i1 to i32
    %cond3A_21 = arith.constant 0 : i32
    %cond3A_22 = arith.cmpi ne, %convert_element_type3A_20, %cond3A_21 : i32
    scf.if %cond3A_22 {
      "tpu.region"() ({
        %run_scoped3A = tpu.sem_alloc : memref<!tpu.dma_semaphore, #tpu.memory_space<semaphore_mem>>
        %dma_start3A_95 = tpu.memref_slice %arg5[%mul3A_15] : memref<4096xi32, #tpu.memory_space<hbm>> -> memref<256xi32, #tpu.memory_space<hbm>>
        %dma_start3A_96 = tpu.memref_slice %arg5[%mul3A_15] : memref<4096xi32, #tpu.memory_space<hbm>> -> memref<256xi32, #tpu.memory_space<hbm>>
        tpu.enqueue_dma source(%dma_start3A_96 : memref<256xi32, #tpu.memory_space<hbm>>) target(%arg8 : memref<256xi32, #tpu.memory_space<vmem>>) target_semaphore(%run_scoped3A : memref<!tpu.dma_semaphore, #tpu.memory_space<semaphore_mem>>)
        %dma_wait3A_97 = tpu.memref_slice %arg5[%mul3A_15] : memref<4096xi32, #tpu.memory_space<hbm>> -> memref<256xi32, #tpu.memory_space<hbm>>
        %dma_wait3A_98 = tpu.memref_slice %arg5[%mul3A_15] : memref<4096xi32, #tpu.memory_space<hbm>> -> memref<256xi32, #tpu.memory_space<hbm>>
        tpu.wait_dma2 semaphore(%run_scoped3A : memref<!tpu.dma_semaphore, #tpu.memory_space<semaphore_mem>>) src(%dma_wait3A_98 : memref<256xi32, #tpu.memory_space<hbm>>) dst(%arg8 : memref<256xi32, #tpu.memory_space<vmem>>)
        tpu.yield
      }) : () -> ()
      "tpu.region"() ({
        %run_scoped3A = tpu.sem_alloc : memref<!tpu.dma_semaphore, #tpu.memory_space<semaphore_mem>>
        %dma_start3A_95 = tpu.memref_slice %arg6[%mul3A_15] : memref<4096xi32, #tpu.memory_space<hbm>> -> memref<256xi32, #tpu.memory_space<hbm>>
        %dma_start3A_96 = tpu.memref_slice %arg6[%mul3A_15] : memref<4096xi32, #tpu.memory_space<hbm>> -> memref<256xi32, #tpu.memory_space<hbm>>
        tpu.enqueue_dma source(%dma_start3A_96 : memref<256xi32, #tpu.memory_space<hbm>>) target(%arg9 : memref<256xi32, #tpu.memory_space<vmem>>) target_semaphore(%run_scoped3A : memref<!tpu.dma_semaphore, #tpu.memory_space<semaphore_mem>>)
        %dma_wait3A_97 = tpu.memref_slice %arg6[%mul3A_15] : memref<4096xi32, #tpu.memory_space<hbm>> -> memref<256xi32, #tpu.memory_space<hbm>>
        %dma_wait3A_98 = tpu.memref_slice %arg6[%mul3A_15] : memref<4096xi32, #tpu.memory_space<hbm>> -> memref<256xi32, #tpu.memory_space<hbm>>
        tpu.wait_dma2 semaphore(%run_scoped3A : memref<!tpu.dma_semaphore, #tpu.memory_space<semaphore_mem>>) src(%dma_wait3A_98 : memref<256xi32, #tpu.memory_space<hbm>>) dst(%arg9 : memref<256xi32, #tpu.memory_space<vmem>>)
        tpu.yield
      }) : () -> ()
    } else {
    }
    %scan3A = arith.constant 0 : i32
    %scan3A_23 = arith.constant 0 : i32
    %scan3A_24 = arith.constant 16 : i32
    %scan3A_25 = arith.addi %scan3A_23, %scan3A_24 : i32
    %scan3A_26 = arith.constant 1 : i32
    %scan3A_27 = scf.for %scan3A_95 = %scan3A_23 to %scan3A_25 step %scan3A_26 iter_args(%scan3A_96 = %scan3A) -> (i32)  : i32 {
      %mul3A_97 = arith.constant 16 : i32
      %mul3A_98 = arith.muli %scan3A_95, %mul3A_97 : i32
      %get3A = arith.index_cast %mul3A_98 : i32 to index
      %get3A_99 = tpu.vector_load %arg9[%get3A] {strides = array<i32>} : memref<256xi32, #tpu.memory_space<vmem>>, vector<16xi32>,
      %add3A_100 = vector.broadcast %mul3A_13 : i32 to vector<16xi32>
      %add3A_101 = arith.addi %get3A_99, %add3A_100 : vector<16xi32>
      %swap3A = arith.index_cast %mul3A_98 : i32 to index
      %swap3A_102 = tpu.vector_load %arg10[%swap3A] {strides = array<i32>} : memref<256xi32, #tpu.memory_space<vmem>>, vector<16xi32>,
      tpu.vector_store %arg10[%swap3A], %add3A_101 {strides = array<i32>} : memref<256xi32, #tpu.memory_space<vmem>>, vector<16xi32>,
      %scan3A_103 = arith.constant 0 : i32
      scf.yield %scan3A_103 : i32
    }
    %scan3A_28 = arith.constant 16 : i32
    %dma_start3A = arith.constant 0 : i32
    %dma_start3A_29 = tpu.memref_slice %arg10[%dma_start3A] : memref<256xi32, #tpu.memory_space<vmem>> -> memref<64xi32, #tpu.memory_space<vmem>>
    %dma_start3A_30 = arith.constant 0 : i32
    %dma_start3A_31 = arith.constant 0 : i32
    %dma_start3A_32 = tpu.memref_slice %arg2[%dma_start3A_30, %dma_start3A_31] : memref<8192x512xf32, #tpu.memory_space<hbm>> -> memref<8192x512xf32, #tpu.memory_space<hbm>>
    tpu.enqueue_indirect_dma source(%dma_start3A_32 : memref<8192x512xf32, #tpu.memory_space<hbm>>) target(%arg11 : memref<64x512xf32, #tpu.memory_space<vmem>>) offsets(%dma_start3A_29 : memref<64xi32, #tpu.memory_space<vmem>>) semaphore(%arg14 : memref<!tpu.dma_semaphore, #tpu.memory_space<semaphore_mem>>)
    %dma_start3A_33 = arith.constant 64 : i32
    %dma_start3A_34 = tpu.memref_slice %arg10[%dma_start3A_33] : memref<256xi32, #tpu.memory_space<vmem>> -> memref<64xi32, #tpu.memory_space<vmem>>
    %dma_start3A_35 = arith.constant 0 : i32
    %dma_start3A_36 = arith.constant 0 : i32
    %dma_start3A_37 = tpu.memref_slice %arg2[%dma_start3A_35, %dma_start3A_36] : memref<8192x512xf32, #tpu.memory_space<hbm>> -> memref<8192x512xf32, #tpu.memory_space<hbm>>
    tpu.enqueue_indirect_dma source(%dma_start3A_37 : memref<8192x512xf32, #tpu.memory_space<hbm>>) target(%arg12 : memref<64x512xf32, #tpu.memory_space<vmem>>) offsets(%dma_start3A_34 : memref<64xi32, #tpu.memory_space<vmem>>) semaphore(%arg15 : memref<!tpu.dma_semaphore, #tpu.memory_space<semaphore_mem>>)
    %iota3A = tpu.iota {dimensions = array<i32: 0>} : vector<16xi32>
    %dma_wait3A = arith.constant 0 : i32
    %dma_wait3A_38 = tpu.memref_slice %arg10[%dma_wait3A] : memref<256xi32, #tpu.memory_space<vmem>> -> memref<64xi32, #tpu.memory_space<vmem>>
    %dma_wait3A_39 = arith.constant 0 : i32
    %dma_wait3A_40 = arith.constant 0 : i32
    %dma_wait3A_41 = tpu.memref_slice %arg2[%dma_wait3A_39, %dma_wait3A_40] : memref<8192x512xf32, #tpu.memory_space<hbm>> -> memref<8192x512xf32, #tpu.memory_space<hbm>>
    tpu.wait_indirect_dma semaphore(%arg14 : memref<!tpu.dma_semaphore, #tpu.memory_space<semaphore_mem>>) src(%dma_wait3A_41 : memref<8192x512xf32, #tpu.memory_space<hbm>>) dst(%arg11 : memref<64x512xf32, #tpu.memory_space<vmem>>)
    %scan3A_42 = arith.constant 0 : i32
    %scan3A_43 = arith.constant 0 : i32
    %scan3A_44 = arith.constant 4 : i32
    %scan3A_45 = arith.addi %scan3A_43, %scan3A_44 : i32
    %scan3A_46 = arith.constant 1 : i32
    %scan3A_47 = scf.for %scan3A_95 = %scan3A_43 to %scan3A_45 step %scan3A_46 iter_args(%scan3A_96 = %scan3A_42) -> (i32)  : i32 {
      %mul3A_97 = arith.constant 16 : i32
      %mul3A_98 = arith.muli %scan3A_95, %mul3A_97 : i32
      %add3A_99 = arith.constant 0 : i32
      %add3A_100 = arith.addi %add3A_99, %mul3A_98 : i32
      %mul3A_101 = arith.constant 16 : i32
      %mul3A_102 = arith.muli %scan3A_95, %mul3A_101 : i32
      %add3A_103 = vector.broadcast %mul3A_102 : i32 to vector<16xi32>
      %add3A_104 = arith.addi %add3A_103, %iota3A : vector<16xi32>
      %get3A = arith.index_cast %add3A_100 : i32 to index
      %get3A_105 = tpu.vector_load %arg8[%get3A] {strides = array<i32>} : memref<256xi32, #tpu.memory_space<vmem>>, vector<16xi32>,
      %gather3A = tpu.vector_load_idx %arg11[%add3A_104, %get3A_105] : memref<64x512xf32, #tpu.memory_space<vmem>>[vector<16xi32>, vector<16xi32>], vector<16xf32>,
      %swap3A = arith.index_cast %add3A_100 : i32 to index
      %swap3A_106 = tpu.vector_load %arg13[%swap3A] {strides = array<i32>} : memref<256xf32, #tpu.memory_space<vmem>>, vector<16xf32>,
      tpu.vector_store %arg13[%swap3A], %gather3A {strides = array<i32>} : memref<256xf32, #tpu.memory_space<vmem>>, vector<16xf32>,
      %scan3A_107 = arith.constant 0 : i32
      scf.yield %scan3A_107 : i32
    }
    %scan3A_48 = arith.constant 4 : i32
    %dma_start3A_49 = arith.constant 128 : i32
    %dma_start3A_50 = tpu.memref_slice %arg10[%dma_start3A_49] : memref<256xi32, #tpu.memory_space<vmem>> -> memref<64xi32, #tpu.memory_space<vmem>>
    %dma_start3A_51 = arith.constant 0 : i32
    %dma_start3A_52 = arith.constant 0 : i32
    %dma_start3A_53 = tpu.memref_slice %arg2[%dma_start3A_51, %dma_start3A_52] : memref<8192x512xf32, #tpu.memory_space<hbm>> -> memref<8192x512xf32, #tpu.memory_space<hbm>>
    tpu.enqueue_indirect_dma source(%dma_start3A_53 : memref<8192x512xf32, #tpu.memory_space<hbm>>) target(%arg11 : memref<64x512xf32, #tpu.memory_space<vmem>>) offsets(%dma_start3A_50 : memref<64xi32, #tpu.memory_space<vmem>>) semaphore(%arg14 : memref<!tpu.dma_semaphore, #tpu.memory_space<semaphore_mem>>)
    %dma_wait3A_54 = arith.constant 64 : i32
    %dma_wait3A_55 = tpu.memref_slice %arg10[%dma_wait3A_54] : memref<256xi32, #tpu.memory_space<vmem>> -> memref<64xi32, #tpu.memory_space<vmem>>
    %dma_wait3A_56 = arith.constant 0 : i32
    %dma_wait3A_57 = arith.constant 0 : i32
    %dma_wait3A_58 = tpu.memref_slice %arg2[%dma_wait3A_56, %dma_wait3A_57] : memref<8192x512xf32, #tpu.memory_space<hbm>> -> memref<8192x512xf32, #tpu.memory_space<hbm>>
    tpu.wait_indirect_dma semaphore(%arg15 : memref<!tpu.dma_semaphore, #tpu.memory_space<semaphore_mem>>) src(%dma_wait3A_58 : memref<8192x512xf32, #tpu.memory_space<hbm>>) dst(%arg12 : memref<64x512xf32, #tpu.memory_space<vmem>>)
    %scan3A_59 = arith.constant 0 : i32
    %scan3A_60 = arith.constant 0 : i32
    %scan3A_61 = arith.constant 4 : i32
    %scan3A_62 = arith.addi %scan3A_60, %scan3A_61 : i32
    %scan3A_63 = arith.constant 1 : i32
    %scan3A_64 = scf.for %scan3A_95 = %scan3A_60 to %scan3A_62 step %scan3A_63 iter_args(%scan3A_96 = %scan3A_59) -> (i32)  : i32 {
      %mul3A_97 = arith.constant 16 : i32
      %mul3A_98 = arith.muli %scan3A_95, %mul3A_97 : i32
      %add3A_99 = arith.constant 64 : i32
      %add3A_100 = arith.addi %add3A_99, %mul3A_98 : i32
      %mul3A_101 = arith.constant 16 : i32
      %mul3A_102 = arith.muli %scan3A_95, %mul3A_101 : i32
      %add3A_103 = vector.broadcast %mul3A_102 : i32 to vector<16xi32>
      %add3A_104 = arith.addi %add3A_103, %iota3A : vector<16xi32>
      %get3A = arith.index_cast %add3A_100 : i32 to index
      %get3A_105 = tpu.vector_load %arg8[%get3A] {strides = array<i32>} : memref<256xi32, #tpu.memory_space<vmem>>, vector<16xi32>,
      %gather3A = tpu.vector_load_idx %arg12[%add3A_104, %get3A_105] : memref<64x512xf32, #tpu.memory_space<vmem>>[vector<16xi32>, vector<16xi32>], vector<16xf32>,
      %swap3A = arith.index_cast %add3A_100 : i32 to index
      %swap3A_106 = tpu.vector_load %arg13[%swap3A] {strides = array<i32>} : memref<256xf32, #tpu.memory_space<vmem>>, vector<16xf32>,
      tpu.vector_store %arg13[%swap3A], %gather3A {strides = array<i32>} : memref<256xf32, #tpu.memory_space<vmem>>, vector<16xf32>,
      %scan3A_107 = arith.constant 0 : i32
      scf.yield %scan3A_107 : i32
    }
    %scan3A_65 = arith.constant 4 : i32
    %dma_start3A_66 = arith.constant 192 : i32
    %dma_start3A_67 = tpu.memref_slice %arg10[%dma_start3A_66] : memref<256xi32, #tpu.memory_space<vmem>> -> memref<64xi32, #tpu.memory_space<vmem>>
    %dma_start3A_68 = arith.constant 0 : i32
    %dma_start3A_69 = arith.constant 0 : i32
    %dma_start3A_70 = tpu.memref_slice %arg2[%dma_start3A_68, %dma_start3A_69] : memref<8192x512xf32, #tpu.memory_space<hbm>> -> memref<8192x512xf32, #tpu.memory_space<hbm>>
    tpu.enqueue_indirect_dma source(%dma_start3A_70 : memref<8192x512xf32, #tpu.memory_space<hbm>>) target(%arg12 : memref<64x512xf32, #tpu.memory_space<vmem>>) offsets(%dma_start3A_67 : memref<64xi32, #tpu.memory_space<vmem>>) semaphore(%arg15 : memref<!tpu.dma_semaphore, #tpu.memory_space<semaphore_mem>>)
    %dma_wait3A_71 = arith.constant 128 : i32
    %dma_wait3A_72 = tpu.memref_slice %arg10[%dma_wait3A_71] : memref<256xi32, #tpu.memory_space<vmem>> -> memref<64xi32, #tpu.memory_space<vmem>>
    %dma_wait3A_73 = arith.constant 0 : i32
    %dma_wait3A_74 = arith.constant 0 : i32
    %dma_wait3A_75 = tpu.memref_slice %arg2[%dma_wait3A_73, %dma_wait3A_74] : memref<8192x512xf32, #tpu.memory_space<hbm>> -> memref<8192x512xf32, #tpu.memory_space<hbm>>
    tpu.wait_indirect_dma semaphore(%arg14 : memref<!tpu.dma_semaphore, #tpu.memory_space<semaphore_mem>>) src(%dma_wait3A_75 : memref<8192x512xf32, #tpu.memory_space<hbm>>) dst(%arg11 : memref<64x512xf32, #tpu.memory_space<vmem>>)
    %scan3A_76 = arith.constant 0 : i32
    %scan3A_77 = arith.constant 0 : i32
    %scan3A_78 = arith.constant 4 : i32
    %scan3A_79 = arith.addi %scan3A_77, %scan3A_78 : i32
    %scan3A_80 = arith.constant 1 : i32
    %scan3A_81 = scf.for %scan3A_95 = %scan3A_77 to %scan3A_79 step %scan3A_80 iter_args(%scan3A_96 = %scan3A_76) -> (i32)  : i32 {
      %mul3A_97 = arith.constant 16 : i32
      %mul3A_98 = arith.muli %scan3A_95, %mul3A_97 : i32
      %add3A_99 = arith.constant 128 : i32
      %add3A_100 = arith.addi %add3A_99, %mul3A_98 : i32
      %mul3A_101 = arith.constant 16 : i32
      %mul3A_102 = arith.muli %scan3A_95, %mul3A_101 : i32
      %add3A_103 = vector.broadcast %mul3A_102 : i32 to vector<16xi32>
      %add3A_104 = arith.addi %add3A_103, %iota3A : vector<16xi32>
      %get3A = arith.index_cast %add3A_100 : i32 to index
      %get3A_105 = tpu.vector_load %arg8[%get3A] {strides = array<i32>} : memref<256xi32, #tpu.memory_space<vmem>>, vector<16xi32>,
      %gather3A = tpu.vector_load_idx %arg11[%add3A_104, %get3A_105] : memref<64x512xf32, #tpu.memory_space<vmem>>[vector<16xi32>, vector<16xi32>], vector<16xf32>,
      %swap3A = arith.index_cast %add3A_100 : i32 to index
      %swap3A_106 = tpu.vector_load %arg13[%swap3A] {strides = array<i32>} : memref<256xf32, #tpu.memory_space<vmem>>, vector<16xf32>,
      tpu.vector_store %arg13[%swap3A], %gather3A {strides = array<i32>} : memref<256xf32, #tpu.memory_space<vmem>>, vector<16xf32>,
      %scan3A_107 = arith.constant 0 : i32
      scf.yield %scan3A_107 : i32
    }
    %scan3A_82 = arith.constant 4 : i32
    %dma_wait3A_83 = arith.constant 192 : i32
    %dma_wait3A_84 = tpu.memref_slice %arg10[%dma_wait3A_83] : memref<256xi32, #tpu.memory_space<vmem>> -> memref<64xi32, #tpu.memory_space<vmem>>
    %dma_wait3A_85 = arith.constant 0 : i32
    %dma_wait3A_86 = arith.constant 0 : i32
    %dma_wait3A_87 = tpu.memref_slice %arg2[%dma_wait3A_85, %dma_wait3A_86] : memref<8192x512xf32, #tpu.memory_space<hbm>> -> memref<8192x512xf32, #tpu.memory_space<hbm>>
    tpu.wait_indirect_dma semaphore(%arg15 : memref<!tpu.dma_semaphore, #tpu.memory_space<semaphore_mem>>) src(%dma_wait3A_87 : memref<8192x512xf32, #tpu.memory_space<hbm>>) dst(%arg12 : memref<64x512xf32, #tpu.memory_space<vmem>>)
    %scan3A_88 = arith.constant 0 : i32
    %scan3A_89 = arith.constant 0 : i32
    %scan3A_90 = arith.constant 4 : i32
    %scan3A_91 = arith.addi %scan3A_89, %scan3A_90 : i32
    %scan3A_92 = arith.constant 1 : i32
    %scan3A_93 = scf.for %scan3A_95 = %scan3A_89 to %scan3A_91 step %scan3A_92 iter_args(%scan3A_96 = %scan3A_88) -> (i32)  : i32 {
      %mul3A_97 = arith.constant 16 : i32
      %mul3A_98 = arith.muli %scan3A_95, %mul3A_97 : i32
      %add3A_99 = arith.constant 192 : i32
      %add3A_100 = arith.addi %add3A_99, %mul3A_98 : i32
      %mul3A_101 = arith.constant 16 : i32
      %mul3A_102 = arith.muli %scan3A_95, %mul3A_101 : i32
      %add3A_103 = vector.broadcast %mul3A_102 : i32 to vector<16xi32>
      %add3A_104 = arith.addi %add3A_103, %iota3A : vector<16xi32>
      %get3A = arith.index_cast %add3A_100 : i32 to index
      %get3A_105 = tpu.vector_load %arg8[%get3A] {strides = array<i32>} : memref<256xi32, #tpu.memory_space<vmem>>, vector<16xi32>,
      %gather3A = tpu.vector_load_idx %arg12[%add3A_104, %get3A_105] : memref<64x512xf32, #tpu.memory_space<vmem>>[vector<16xi32>, vector<16xi32>], vector<16xf32>,
      %swap3A = arith.index_cast %add3A_100 : i32 to index
      %swap3A_106 = tpu.vector_load %arg13[%swap3A] {strides = array<i32>} : memref<256xf32, #tpu.memory_space<vmem>>, vector<16xf32>,
      tpu.vector_store %arg13[%swap3A], %gather3A {strides = array<i32>} : memref<256xf32, #tpu.memory_space<vmem>>, vector<16xf32>,
      %scan3A_107 = arith.constant 0 : i32
      scf.yield %scan3A_107 : i32
    }
    %scan3A_94 = arith.constant 4 : i32
    "tpu.region"() ({
      %run_scoped3A = tpu.sem_alloc : memref<!tpu.dma_semaphore, #tpu.memory_space<semaphore_mem>>
      %dma_start3A_95 = tpu.memref_slice %arg7[%mul3A_2] : memref<8192xf32, #tpu.memory_space<hbm>> -> memref<256xf32, #tpu.memory_space<hbm>>
      %dma_start3A_96 = tpu.memref_slice %arg7[%mul3A_2] : memref<8192xf32, #tpu.memory_space<hbm>> -> memref<256xf32, #tpu.memory_space<hbm>>
      tpu.enqueue_dma source(%arg13 : memref<256xf32, #tpu.memory_space<vmem>>) target(%dma_start3A_96 : memref<256xf32, #tpu.memory_space<hbm>>) target_semaphore(%run_scoped3A : memref<!tpu.dma_semaphore, #tpu.memory_space<semaphore_mem>>)
      %dma_wait3A_97 = tpu.memref_slice %arg7[%mul3A_2] : memref<8192xf32, #tpu.memory_space<hbm>> -> memref<256xf32, #tpu.memory_space<hbm>>
      %dma_wait3A_98 = tpu.memref_slice %arg7[%mul3A_2] : memref<8192xf32, #tpu.memory_space<hbm>> -> memref<256xf32, #tpu.memory_space<hbm>>
      tpu.wait_dma2 semaphore(%run_scoped3A : memref<!tpu.dma_semaphore, #tpu.memory_space<semaphore_mem>>) src(%arg13 : memref<256xf32, #tpu.memory_space<vmem>>) dst(%dma_wait3A_98 : memref<256xf32, #tpu.memory_space<hbm>>)
      tpu.yield
    }) : () -> ()
    return
  }
}

module attributes {stable_mosaic.version = 14 : i64} {
  func.func @_tc_reduce_body(%arg0: memref<64x128xf32, #tpu.memory_space<vmem>>, %arg1: memref<1x1xf32, #tpu.memory_space<smem>>) attributes {dimension_semantics = [], scalar_prefetch = 0 : i64, scratch_operands = 0 : i64, tpu.core_type = #tpu.core_type<tc>} {
    %get3A = arith.constant 0 : index
    %get3A_0 = arith.constant 0 : index
    %get3A_1 = vector.load %arg0[%get3A, %get3A_0] : memref<64x128xf32, #tpu.memory_space<vmem>>, vector<64x128xf32>
    %iota3A = tpu.iota {dimensions = array<i32: 0>} : vector<64x128xi32>
    %lt3A = arith.constant 32 : i32
    %lt3A_2 = vector.broadcast %lt3A : i32 to vector<64x128xi32>
    %lt3A_3 = arith.cmpi slt, %iota3A, %lt3A_2 : vector<64x128xi32>
    %convert_element_type3A = arith.extui %lt3A_3 : vector<64x128xi1> to vector<64x128xi32>
    %convert_element_type3A_4 = arith.sitofp %convert_element_type3A : vector<64x128xi32> to vector<64x128xf32>
    %max3A = arith.constant 0.000000e+00 : f32
    %max3A_5 = vector.broadcast %max3A : f32 to vector<64x128xf32>
    %max3A_6 = arith.maximumf %get3A_1, %max3A_5 : vector<64x128xf32>
    %mul3A = arith.mulf %get3A_1, %convert_element_type3A_4 : vector<64x128xf32>
    %sub3A = arith.subf %max3A_6, %mul3A : vector<64x128xf32>
    %abs3A = math.absf %get3A_1 : vector<64x128xf32>
    %neg3A = arith.constant 0.000000e+00 : f32
    %neg3A_7 = vector.broadcast %neg3A : f32 to vector<64x128xf32>
    %neg3A_8 = arith.subf %neg3A_7, %abs3A : vector<64x128xf32>
    %exp3A = math.exp %neg3A_8 : vector<64x128xf32>
    %log1p3A = math.log1p %exp3A : vector<64x128xf32>
    %add3A = arith.addf %sub3A, %log1p3A : vector<64x128xf32>
    %reduce_sum3A = vector.shape_cast %add3A : vector<64x128xf32> to vector<1x64x128xf32>
    %reduce_sum3A_9 = arith.constant dense<0.000000e+00> : vector<1xf32>
    %reduce_sum3A_10 = vector.multi_reduction <add>, %reduce_sum3A, %reduce_sum3A_9 [1, 2] : vector<1x64x128xf32> to vector<1xf32>
    %reduce_sum3A_11 = vector.shape_cast %reduce_sum3A_10 : vector<1xf32> to vector<1x1x1xf32>
    %reduce_sum3A_12 = vector.extract %reduce_sum3A_11[0, 0, 0] : f32 from vector<1x1x1xf32>
    %mul3A_13 = arith.constant 1.22070313E-4 : f32
    %mul3A_14 = arith.mulf %reduce_sum3A_12, %mul3A_13 : f32
    %swap3A = arith.constant 0 : index
    %swap3A_15 = arith.constant 0 : index
    %swap3A_16 = memref.load %arg1[%swap3A, %swap3A_15] : memref<1x1xf32, #tpu.memory_space<smem>>
    memref.store %mul3A_14, %arg1[%swap3A, %swap3A_15] : memref<1x1xf32, #tpu.memory_space<smem>>
    return
  }
}

</mosaic_0001>

<sc_bundles>
// kernel: kernel.4.cloned.1.call-start
scs
__scs_entry_jumppad:
0x0: {  	(pc) =	sbr.rel $0x88, $3  }
0x1: {  	(tag) =	ssettag $0x0;
	lr =	simm.s32 $0x1  }
0x2: {  	[smem:$0x3F9E] =	sst lr;
	_ =	strace $0xD0000000  }
0x3: {  	_ = 	snop  }
0x4: {  	_ = 	snop  }
0x5: {  	_ = 	snop  }
0x6: {  	_ = 	snop  }
0x7: {  	_ = 	snop  }
__scs_overlays_trampoline_lowered:
0x8: {  	[smem:$0x3FAD] =	sst s0  }
0x9: {  	[smem:$0x3FAE] =	sst s1  }
0xa: {  	[smem:$0x3FAF] =	sst s2  }
0xb: {  	[smem:$0x3FB0] =	sst s3  }
0xc: {  	[smem:$0x3FB1] =	sst s4  }
0xd: {  	[smem:$0x3FB2] =	sst s5  }
0xe: {  	[smem:$0x3FB3] =	sst s6  }
0xf: {  	[smem:$0x3FB4] =	sst s7  }
0x10: {  	[smem:$0x3FB5] =	sst s8  }
0x11: {  	[smem:$0x3FB6] =	sst s9;
	s0 =	simm.s32 @!p0 $0x0  }
0x12: {  	s1 =	sld [smem:$0x3F9C];
	s0 =	simm.s32 @p0 $0x1  }
0x13: {  	[smem:$0x3FB7] =	sst s0;
	s0 =	simm.s32 @!p1 $0x0  }
0x14: {  	s2 =	sld [smem:$0x3F9B];
	s0 =	simm.s32 @p1 $0x1  }
0x15: {  	[smem:$0x3FB8] =	sst s0;
	s0 =	simm.s32 @!p2 $0x0  }
0x16: {  	s3 =	sld [smem:$0x3FDB];
	s0 =	simm.s32 @p2 $0x1  }
0x17: {  	s4 =	simm.s32 $0x1BF5;
	[smem:$0x3FBA] =	sst s0  }
0x18: {  	s0 =	sld [smem:$0x3F9D];
	_ =	swait.ge [sflag:s4], $0x0  }
0x19: {  	s7 =	sld [smem:$0x3F9E]  }
0x1a: {  	s8 =	sadd.s32 $0xFFFFE003, lr  }
0x1b: {  	s9 =	sadd.s32 $0xFFFFFEF7, lr;
	s5 =	simm.s32 $0xFFFFFFFF;
	p2 =	slt.u32 s8, $0xFFFFF086  }
0x1c: {  	p1 =	slt.u32 s9, $0xF7A;
	s5 =	simm.s32 @!p2 $0x0  }
0x1d: {  	s5 =	simm.s32 @p1 $0x1;
	p0 =	seq.s32 s7, s2  }
0x1e: {  	s7 =	smul.u32 @!p0 $0xF7A, s2;
	p2 =	seq.s32 @!p0 s5, $0x0  }
0x1f: {  	s9 =	smul.u32 $0xF7A, s1;
	s8 =	simm.s32 @!p0 $0x1BF5;
	p2 =	por !p2, p0  }
0x20: {  	[sflag:s8] =	ssyncset.s32 @!p0 $0xFFFFF086;
	s6 =	sadd.s32 @!p0 s3, s7;
	s7 =	simm.s32 @!p0 $0x108  }
0x21: {  	s3 =	sadd.s32 s3, s9;
	s6 =	sadd.s32 @!p0 $0x88, s6;
	s7 =	simm.s32 @p2 $0x1082  }
0x22: {  	[simem:s7], [sflag:s8] =	dma.local @!p0 [hbm:s6], $0xF7A  }
0x23: {  	s9 =	sor.u32 $0xD0000000, s2;
	s6 =	simm.s32 $0x108;
	_ =	swait.ge @!p0 [sflag:s8], $0x0  }
0x24: {  	s3 =	sadd.s32 $0x88, s3;
	s6 =	simm.s32 @!p1 $0x1082;
	[sflag:s4] =	ssyncset.s32 $0xFFFFF086  }
0x25: {  	[simem:s6], [sflag:s4] =	dma.local [hbm:s3], $0xF7A  }
0x26: {  	[smem:$0x3F9E] =	sst s1;
	(tag) =	ssettag s2;
	_ =	strace s9  }
0x27: {  	s1 =	sld [smem:$0x3FAE]  }
0x28: {  	s2 =	sld [smem:$0x3FAF]  }
0x29: {  	s4 =	sld [smem:$0x3FB1]  }
0x2a: {  	p0 =	seq.s32 s5, $0x0;
	s5 =	sld [smem:$0x3FB2]  }
0x2b: {  	s6 =	sld [smem:$0x3FB3]  }
0x2c: {  	s7 =	sld [smem:$0x3FB4]  }
0x2d: {  	s3 =	simm.s32 $0x108;
	s8 =	sld [smem:$0x3FB5]  }
0x2e: {  	s3 =	simm.s32 @!p0 $0x1082;
	s9 =	sld [smem:$0x3FB6]  }
0x2f: {  	lr =	sadd.s32 s0, s3;
	s0 =	sld [smem:$0x3FAD]  }
0x30: {  	s3 =	sld [smem:$0x3FB0]  }
0x31: {  	[smem:$0x3FB9] =	sst s10  }
0x32: {  	s10 =	sld [smem:$0x3FB7];
	_ =	sdelay $0x3  }
0x33: {  	p0 =	seq.s32 s10, $0x1;
	s10 =	sld [smem:$0x3FB9];
	_ =	sdelay $0x3  }
0x34: {  	[smem:$0x3FB9] =	sst s10  }
0x35: {  	s10 =	sld [smem:$0x3FB8];
	_ =	sdelay $0x3  }
0x36: {  	p1 =	seq.s32 s10, $0x1;
	s10 =	sld [smem:$0x3FB9];
	_ =	sdelay $0x3  }
0x37: {  	[smem:$0x3FB9] =	sst s10  }
0x38: {  	s10 =	sld [smem:$0x3FBA]  }
0x39: {  	_ = 	snop;
	(pc) =	sbr.ind lr, $3  }
0x3a: {  	_ = 	snop  }
0x3b: {  	_ = 	snop  }
0x3c: {  	p2 =	seq.s32 s10, $0x1;
	s10 =	sld [smem:$0x3FB9]  }
0x3d: {  	_ =	shalt  }
0x3e: {  	_ =	shalt  }
0x3f: {  	_ =	shalt  }
0x40: {  	_ =	shalt  }
0x41: {  	_ =	shalt  }
0x42: {  	_ =	shalt  }
0x43: {  	_ =	shalt  }
0x44: {  	_ =	shalt  }
0x45: {  	_ =	shalt  }
0x46: {  	_ =	shalt  }
0x47: {  	_ =	shalt  }
0x48: {  	_ =	shalt  }
0x49: {  	_ =	shalt  }
0x4a: {  	_ =	shalt  }
0x4b: {  	_ =	shalt  }
0x4c: {  	_ =	shalt  }
0x4d: {  	_ =	shalt  }
0x4e: {  	_ =	shalt  }
0x4f: {  	_ =	shalt  }
0x50: {  	_ =	shalt  }
0x51: {  	_ =	shalt  }
0x52: {  	_ =	shalt  }
0x53: {  	_ =	shalt  }
0x54: {  	_ =	shalt  }
0x55: {  	_ =	shalt  }
0x56: {  	_ =	shalt  }
0x57: {  	_ =	shalt  }
0x58: {  	_ =	shalt  }
0x59: {  	_ =	shalt  }
0x5a: {  	_ =	shalt  }
0x5b: {  	_ =	shalt  }
0x5c: {  	_ =	shalt  }
0x5d: {  	_ =	shalt  }
0x5e: {  	_ =	shalt  }
0x5f: {  	_ =	shalt  }
0x60: {  	_ =	shalt  }
0x61: {  	_ =	shalt  }
0x62: {  	_ =	shalt  }
0x63: {  	_ =	shalt  }
0x64: {  	_ =	shalt  }
0x65: {  	_ =	shalt  }
0x66: {  	_ =	shalt  }
0x67: {  	_ =	shalt  }
0x68: {  	_ =	shalt  }
0x69: {  	_ =	shalt  }
0x6a: {  	_ =	shalt  }
0x6b: {  	_ =	shalt  }
0x6c: {  	_ =	shalt  }
0x6d: {  	_ =	shalt  }
0x6e: {  	_ =	shalt  }
0x6f: {  	_ =	shalt  }
0x70: {  	_ =	shalt  }
0x71: {  	_ =	shalt  }
0x72: {  	_ =	shalt  }
0x73: {  	_ =	shalt  }
0x74: {  	_ =	shalt  }
0x75: {  	_ =	shalt  }
0x76: {  	_ =	shalt  }
0x77: {  	_ =	shalt  }
0x78: {  	_ =	shalt  }
0x79: {  	_ =	shalt  }
0x7a: {  	_ =	shalt  }
0x7b: {  	_ =	shalt  }
0x7c: {  	_ =	shalt  }
0x7d: {  	_ =	shalt  }
0x7e: {  	_ =	shalt  }
0x7f: {  	_ =	shalt  }
0x80: {  	_ =	shalt  }
0x81: {  	_ =	shalt  }
0x82: {  	_ =	shalt  }
0x83: {  	_ =	shalt  }
0x84: {  	_ =	shalt  }
0x85: {  	_ =	shalt  }
0x86: {  	_ =	shalt  }
0x87: {  	_ =	shalt  }
.Lfunc_end0:
.L_simem_size_0:
called_computation_lowered:
.L_overlay_start_0:
0x88: {  	s2 =	sld [smem:$0x3FD9]  }
0x89: {  	s3 =	sld [smem:$0x3FFE];
	_ =	sdelay $0x1  }
0x8a: {  	s1 =	srdreg.scid  }
0x8b: {  	s0 =	sand.u32 $0x1, s1  }
0x8c: {  	s17 =	sshll.u32 s0, $0xA;
	s2 =	sadd.s32 s3, s2  }
0x8d: {  	s2 =	sadd.s32 s2, s17  }
0x8e: {  	[smem:$0x3FC5] =	sst s2  }
0x8f: {  	_ = 	snop  }
0x90: {  	s2 =	sld [smem:$0x3FC9];
	(tm) =	ssettm $0x1  }
0x91: {  	s18 =	sld [smem:$0x3FFB];
	_ =	sdelay $0x3  }
0x92: {  	_ =	strace s18  }
0x93: {  	s3 =	sld [smem:$0x3FFC];
	_ =	sdelay $0x3  }
0x94: {  	_ =	strace s3  }
0x95: {  	s3 =	sld [smem:$0x3FFD];
	_ =	sdelay $0x3  }
0x96: {  	_ =	strace s3  }
0x97: {  	_ =	strace $0x8FFFFFFF  }
0x98: {  	s19 =	sld [smem:$0x3FDB];
	_ =	sdelay $0x1  }
0x99: {  	s4 =	simm.s32 $_scs_section_size  }
0x9a: {  	s5 =	simm.s32 $_size__tile_overlayer_lowered;
	s6 =	simm.s32 $_tile_overlayer_lowered  }
0x9b: {  	s22 =	simm.s32 $0x1BFF;
	s21 =	sshll.u32 s6, $0x1;
	s3 =	sadd.s32 s4, s19  }
0x9c: {  	s7 =	simm.s32 $0x0;
	s20 =	sshll.u32 s5, $0x1;
	s5 =	sadd.s32 s21, s3  }
0x9d: {  	[timem:s7], [sflag:s22] =	dma.local [hbm:s5], s20  }
0x9e: {  	_ =	swait.ge [sflag:s22], s20  }
0x9f: {  	s4 =	ssub.s32 $0x0, s20;
	[sflag:s22] =	ssyncset.done $0x0  }
0xa0: {  	[sflag:s22] =	ssyncadd.s32 s4;
	_ =	sdelay $0x1  }
0xa1: {  	s23 =	simm.s32 $0x1B8B  }
0xa2: {  	_ =	swait.ge [sflag:s23], $0x1  }
0xa3: {  	[sflag:s23] =	ssyncset.done $0x0  }
0xa4: {  	s25 =	simm.s32 $0x1B8E;
	s24 =	sld [smem:$0x3FFE];
	[sflag:s23] =	ssyncadd.s32 $0xFFFFFFFF  }
0xa5: {  	s26 =	simm.s32 $execute0_lowered;
	[smem:$0x3FD2] =	sst s25  }
0xa6: {  	s5 =	sshll.u32 s26, $0x1;
	_ =	strace $0x80000046;
	[dreg:$0x1] =	wrdreg $0xFFFFFFFF  }
0xa7: {  	s28 =	simm.s32 $_size_execute0_lowered;
	s3 =	sadd.s32 s3, s5;
	[dreg:$0x0] =	wrdreg $0x0  }
0xa8: {  	s5 =	sshll.u32 s28, $0x1;
	[dreg:$0x2] =	wrdreg s3  }
0xa9: {  	[dreg:$0x3] =	wrdreg s5  }
0xaa: {  	[dreg:$0x4] =	wrdreg $0xC0  }
0xab: {  	_ =	task [dreg:s7], $0x5FFFF  }
0xac: {  	[dreg:$0x1] =	wrdreg $0xFFFFFFFF  }
0xad: {  	[dreg:$0x0] =	wrdreg $0x60  }
0xae: {  	[dreg:$0x2] =	wrdreg s2  }
0xaf: {  	[dreg:$0x3] =	wrdreg s24  }
0xb0: {  	[dreg:$0x4] =	wrdreg $0x9  }
0xb1: {  	_ =	task.clear_ibuf [dreg:s7], $0x5FFFF;
	_ =	strace $0x90000046  }
0xb2: {  	s29 =	simm.s32 $0x9;
	_ =	strace $0x80000048  }
0xb3: {  	_ =	swait.ge [sflag:s29], $0x1  }
0xb4: {  	[sflag:s29] =	ssyncadd.s32 $0xFFFFFFFF  }
0xb5: {  	_ =	strace $0x90000048  }
0xb6: {  	_ =	sfence  }
0xb7: {  	s30 =	sld [smem:$0x0];
	_ =	sdelay $0x2  }
0xb8: {  	s31 =	sshll.u32 s1, $0xD;
	s1 =	sshrl.u32 s1, $0x2  }
0xb9: {  	s3 =	sand.u32 $0x4000, s31;
	s1 =	sadd.s32 s1, s30  }
0xba: {  	s0 =	sor.u32 s3, s0;
	s1 =	sshll.u32 s1, $0x11  }
0xbb: {  	s0 =	sor.u32 s1, s0  }
0xbc: {  	s0 =	sadd.s32 $0x8F2B, s0  }
0xbd: {  	[sflag:s0] =	ssyncadd.remote.s32 $0x1  }
0xbe: {  	_ =	sfence.sel $0xFFFF  }
0xbf: {  	[dreg:$0x0] =	wrdreg $0xFFFFFFFF;
	(pc) =	sbr.abs _section_cstart, $3  }
0xc0: {  	[dreg:$0x1] =	wrdreg $0xFFFFFFFF  }
0xc1: {  	_ =	task.clear_ibuf [dreg:s7], $0x2FFFF;
	_ =	strace $0x9FFFFFFF  }
0xc2: {  	(tm) =	ssettm $0x7FFFFFFF  }
0xc3: {  	_ =	shalt  }
tec
execute0_lowered:
.L_overlay_start_1:
0x0: {  	(tag) =	ssettag $0x1  }
0x1: {  	vm15 =	vcmask $0x300;
	v0 =	vimm.s32 $0x1380  }
0x2: {  	vm14 =	vcmask $0x704;
	v0 =	vsel vm15, $0x0, v0  }
0x3: {  	vm13 =	vcmask $0xB08;
	v0 =	vsel vm14, $0x80, v0  }
0x4: {  	vm12 =	vcmask $0xF0C;
	v0 =	vsel vm13, $0x100, v0  }
0x5: {  	vm11 =	vcmask $0x1310;
	vm10 =	vcmask $0x1714;
	v0 =	vsel vm12, $0x180, v0  }
0x6: {  	vm9 =	vcmask $0x1B18;
	vm8 =	vcmask $0x1F1C;
	v0 =	vsel vm11, $0x200, v0  }
0x7: {  	vm7 =	vcmask $0x2320;
	vm5 =	vcmask $0x2724;
	v0 =	vsel vm10, $0x280, v0  }
0x8: {  	vm6 =	vcmask $0x2B28;
	v3 =	vlaneseq.u32;
	v0 =	vsel vm9, $0x300, v0  }
0x9: {  	vm4 =	vcmask $0x2F2C;
	vm3 =	vcmask $0x3330;
	v0 =	vsel vm8, $0x380, v0  }
0xa: {  	vm2 =	vcmask $0x3734;
	vm1 =	vcmask $0x3B38;
	v1 =	vsel vm7, $0x1000, v0  }
0xb: {  	s0 =	srdreg.scid;
	vm0 =	vmmov $0xffff;
	v6 =	vimm.s32 $0x5380;
	v1 =	vsel vm5, $0x1080, v1  }
0xc: {  	s7 =	stileid.u32;
	s5 =	rddreg [dreg:$0x1];
	s3 =	simm.s32 $0x0;
	v7 =	vimm.s32 $0x7380;
	v4 =	vshrl.u32 v3, $0x3;
	v2 =	vsel vm6, $0x1100, v1  }
0xd: {  	s25 =	simm.s32 $0x100;
	s23 =	simm.s32 $0x8300;
	s26 =	simm.s32 $0x10300;
	v6 =	vsel vm15, $0x4000, v6;
	v7 =	vsel vm15, $0x6000, v7;
	v2 =	vsel vm4, $0x1180, v2  }
0xe: {  	s18 =	simm.s32 $0x1B00;
	s19 =	simm.s32 $0x2300;
	s20 =	simm.s32 $0x2B00;
	v6 =	vsel vm14, $0x4080, v6;
	v7 =	vsel vm14, $0x6080, v7;
	v5 =	vsel vm3, $0x1200, v2  }
0xf: {  	s21 =	simm.s32 $0x3300;
	s22 =	simm.s32 $0x3B00;
	s28 =	simm.s32 $0x5B00;
	v2 =	vmul.u32 $0x8, v4;
	v4 =	vsel vm2, $0x1280, v5;
	v5 =	vimm.s32 $0x3380  }
0x10: {  	s29 =	simm.s32 $0x6300;
	s30 =	simm.s32 $0x6B00;
	s31 =	simm.s32 $0x7300;
	v6 =	vsel vm13, $0x4100, v6;
	v7 =	vsel vm13, $0x6100, v7;
	v5 =	vsel vm15, $0x2000, v5  }
0x11: {  	s9 =	simm.s32 $0x9B00;
	s10 =	simm.s32 $0xA300;
	s11 =	simm.s32 $0xAB00;
	v6 =	vsel vm12, $0x4180, v6;
	v7 =	vsel vm12, $0x6180, v7;
	v5 =	vsel vm14, $0x2080, v5  }
0x12: {  	s12 =	simm.s32 $0xB300;
	s0 =	sand.u32 $0x1, s0;
	s1 =	sshll.u32 s7, $0x1;
	v6 =	vsel vm11, $0x4200, v6;
	v7 =	vsel vm11, $0x6200, v7;
	v5 =	vsel vm13, $0x2100, v5  }
0x13: {  	s13 =	simm.s32 $0xBB00;
	s14 =	simm.s32 $0xC300;
	s2 =	sor.u32 s0, s1;
	v6 =	vsel vm10, $0x4280, v6;
	v7 =	vsel vm10, $0x6280, v7;
	v5 =	vsel vm12, $0x2180, v5  }
0x14: {  	s15 =	simm.s32 $0xCB00;
	[smem:$0x7FF] =	sst s3;
	s4 =	sand.u32 $0xF, s2;
	v6 =	vsel vm9, $0x4300, v6;
	v7 =	vsel vm9, $0x6300, v7;
	v5 =	vsel vm11, $0x2200, v5  }
0x15: {  	p0 =	slt.u32 s7, $0x8;
	s1 =	rddreg [dreg:$0x0];
	s6 =	sshll.u32 s4, $0x9;
	v6 =	vsel vm8, $0x4380, v6;
	v7 =	vsel vm8, $0x6380, v7;
	v5 =	vsel vm10, $0x2280, v5  }
0x16: {  	_ =	strace $0x80000047;
	s0 =	ssub.s32 $0x2, s0;
	[dreg:$0x6] =	wrdreg s25;
	v0 =	vmov s6;
	v6 =	vsel vm7, $0x5000, v6;
	v5 =	vsel vm9, $0x2300, v5  }
0x17: {  	[dreg:$0x7] =	wrdreg s26;
	s25 =	simm.s32 $0x4B00;
	s26 =	simm.s32 $0x5300;
	v7 =	vsel vm7, $0x7000, v7;
	v6 =	vsel vm5, $0x5080, v6;
	v5 =	vsel vm8, $0x2380, v5  }
0x18: {  	s2 =	sshll.u32 s2, $0x5;
	s24 =	sshrl.u32 s0, $0x1;
	s4 =	sshll.u32 s4, $0x5;
	v7 =	vsel vm5, $0x7080, v7;
	v1 =	vand.u32 $0x7, v3;
	v5 =	vsel vm7, $0x3000, v5  }
0x19: {  	s2 =	sadd.s32 s2, s5;
	s0 =	ssub.s32 s0, s24;
	s24 =	simm.s32 $0x4300;
	v3 =	vor.u32 $0x8, v3;
	v6 =	vsel vm6, $0x5100, v6;
	v5 =	vsel vm5, $0x3080, v5  }
0x1a: {  	s4 =	sadd.s32 s4, s5;
	s8 =	sadd.s32 $0x1200, s2;
	s5 =	smax.u32 s0, $0x1;
	v7 =	vsel vm6, $0x7100, v7;
	v6 =	vsel vm4, $0x5180, v6;
	v5 =	vsel vm6, $0x3100, v5  }
0x1b: {  	s7 =	sadd.s32 $0xE00, s4;
	s6 =	sadd.s32 $0x1000, s4;
	s4 =	sadd.s32 $0xC00, s2;
	v7 =	vsel vm4, $0x7180, v7;
	v6 =	vsel vm3, $0x5200, v6;
	v5 =	vsel vm4, $0x3180, v5  }
0x1c: {  	[dreg:$0x3] =	wrdreg s8;
	s2 =	sadd.s32 $0xA00, s2;
	s6 =	smov.u32 @p0 s4;
	v7 =	vsel vm3, $0x7200, v7;
	v6 =	vsel vm2, $0x5280, v6;
	v5 =	vsel vm3, $0x3200, v5  }
0x1d: {  	s7 =	smov.u32 @p0 s2;
	s4 =	sadd.s32 $0x100, s1;
	[dreg:$0x5] =	wrdreg s6;
	v7 =	vsel vm2, $0x7280, v7;
	v4 =	vsel vm1, $0x1300, v4;
	v5 =	vsel vm2, $0x3280, v5  }
0x1e: {  	[dreg:$0x4] =	wrdreg s7;
	s6 =	simm.s32 $0x3;
	s7 =	simm.s32 $0x300;
	v6 =	vsel vm1, $0x5300, v6;
	v7 =	vsel vm1, $0x7300, v7;
	v5 =	vsel vm1, $0x3300, v5  }
.LBB2_1:
0x1f: {  	s16 =	rddreg [dreg:$0x5]  }
0x20: {  	[tilespmem:s3], [sflag:$0x3] =	stream.linear.gather [hbm4b:s16+s3], $0x100, $0x38;
	[tilespmem:$0x10400] =	vst v63  }
0x21: {  	_ =	swait.ge [sflag:s6], $0x100  }
0x22: {  	s8 =	rddreg [dreg:$0x4];
	[sflag:s6] =	ssyncset.done $0x0  }
0x23: {  	s17 =	rddreg [dreg:$0x6];
	[sflag:s6] =	ssyncadd.s32 $0xFFFFFF00  }
0x24: {  	[tilespmem:s17], [sflag:$0x3] =	stream.linear.gather [hbm4b:s8+s3], $0x100, $0x38;
	[tilespmem:$0x10400] =	vst v63  }
0x25: {  	_ =	swait.ge [sflag:s6], $0x100  }
0x26: {  	[sflag:s6] =	ssyncset.done $0x0  }
0x27: {  	[sflag:s6] =	ssyncadd.s32 $0xFFFFFF00  }
0x28: {  	v8 =	vld [tilespmem:$0x100]  }
0x29: {  	v9 =	vld [tilespmem:$0x110]  }
0x2a: {  	v10 =	vld [tilespmem:$0x120]  }
0x2b: {  	v11 =	vld [tilespmem:$0x130]  }
0x2c: {  	v12 =	vld [tilespmem:$0x140]  }
0x2d: {  	v14 =	vld [tilespmem:$0x150];
	v13 =	vadd.s32 v0, v8  }
0x2e: {  	v15 =	vld [tilespmem:$0x160];
	v9 =	vadd.s32 v0, v9;
	[tilespmem:$0x200] =	vst v13  }
0x2f: {  	v39 =	vld [tilespmem:$0x170];
	v38 =	vadd.s32 v0, v10;
	[tilespmem:$0x210] =	vst v9  }
0x30: {  	v41 =	vld [tilespmem:$0x180];
	v40 =	vadd.s32 v0, v11;
	[tilespmem:$0x220] =	vst v38  }
0x31: {  	v43 =	vld [tilespmem:$0x190];
	v42 =	vadd.s32 v0, v12;
	[tilespmem:$0x230] =	vst v40  }
0x32: {  	v45 =	vld [tilespmem:$0x1A0];
	v44 =	vadd.s32 v0, v14;
	[tilespmem:$0x240] =	vst v42  }
0x33: {  	v47 =	vld [tilespmem:$0x1B0];
	v46 =	vadd.s32 v0, v15;
	[tilespmem:$0x250] =	vst v44  }
0x34: {  	v49 =	vld [tilespmem:$0x1C0];
	v48 =	vadd.s32 v0, v39;
	[tilespmem:$0x260] =	vst v46;
	v13 =	vshll.u32 v13, $0x2  }
0x35: {  	v51 =	vld [tilespmem:$0x1D0];
	v50 =	vadd.s32 v0, v41;
	v8 =	vand.u32 $0x7, v8;
	[tilespmem:$0x270] =	vst v48;
	v13 =	vand.u32 $0xFFFFFFE0, v13  }
0x36: {  	v53 =	vld [tilespmem:$0x1E0];
	v52 =	vadd.s32 v0, v43;
	[tilespmem:$0x280] =	vst v50;
	v8 =	vor.u32 v8, v13  }
0x37: {  	v55 =	vld [tilespmem:$0x1F0];
	v54 =	vadd.s32 v0, v45;
	[tilespmem:$0x290] =	vst v52;
	v56 =	vperm.xlane v8, v1  }
0x38: {  	v57 =	vadd.s32 v0, v47;
	[tilespmem:$0x2A0] =	vst v54  }
0x39: {  	v58 =	vadd.s32 v0, v49;
	[tilespmem:$0x2B0] =	vst v57;
	v59 =	vadd.s32 v2, v56  }
0x3a: {  	v60 =	vadd.s32 v0, v51;
	[tilespmem:$0x2C0] =	vst v58  }
0x3b: {  	v61 =	vadd.s32 v0, v53;
	[tilespmem:$0x2D0] =	vst v60;
	v8 =	vperm.xlane v8, v3  }
0x3c: {  	v62 =	vadd.s32 v0, v55;
	[tilespmem:$0x2E0] =	vst v61  }
0x3d: {  	[tilespmem:$0x2F0] =	vst v62;
	v8 =	vadd.s32 v2, v8  }
0x3e: {  	[tilespmem:s7], [sflag:$0x1] =	stream.indirect_vreg.gather [hbm4b:s1+s3], $0x80, v59, vm0, $0xb8;
	[tilespmem:$0x10400] =	vst v63  }
0x3f: {  	s16 =	simm.s32 $0xB00  }
0x40: {  	[tilespmem:s16], [sflag:$0x1] =	stream.indirect_vreg.gather [hbm4b:s4+s3], $0x80, v59, vm0, $0xb8;
	[tilespmem:$0x10400] =	vst v63  }
0x41: {  	s17 =	simm.s32 $0x1300  }
0x42: {  	[tilespmem:s17], [sflag:$0x1] =	stream.indirect_vreg.gather [hbm4b:s1+s3], $0x80, v8, vm0, $0xb8;
	[tilespmem:$0x10400] =	vst v63  }
0x43: {  	_ = 	snop  }
0x44: {  	[tilespmem:s18], [sflag:$0x1] =	stream.indirect_vreg.gather [hbm4b:s4+s3], $0x80, v8, vm0, $0xb8;
	[tilespmem:$0x10400] =	vst v63  }
0x45: {  	v8 =	vld [tilespmem:$0x210];
	_ =	sdelay $0x4  }
0x46: {  	v63 =	vshll.u32 v8, $0x2  }
0x47: {  	v8 =	vand.u32 $0x7, v8;
	v9 =	vand.u32 $0xFFFFFFE0, v63  }
0x48: {  	v8 =	vor.u32 v8, v9  }
0x49: {  	v9 =	vperm.xlane v8, v1;
	_ =	sdelay $0x1  }
0x4a: {  	v9 =	vadd.s32 v2, v9;
	_ =	sdelay $0x1  }
0x4b: {  	v8 =	vperm.xlane v8, v3;
	_ =	sdelay $0x1  }
0x4c: {  	v8 =	vadd.s32 v2, v8  }
0x4d: {  	[tilespmem:s19], [sflag:$0x1] =	stream.indirect_vreg.gather [hbm4b:s1+s3], $0x80, v9, vm0, $0xb8;
	[tilespmem:$0x10400] =	vst v63  }
0x4e: {  	_ = 	snop  }
0x4f: {  	[tilespmem:s20], [sflag:$0x1] =	stream.indirect_vreg.gather [hbm4b:s4+s3], $0x80, v9, vm0, $0xb8;
	[tilespmem:$0x10400] =	vst v63  }
0x50: {  	_ = 	snop  }
0x51: {  	[tilespmem:s21], [sflag:$0x1] =	stream.indirect_vreg.gather [hbm4b:s1+s3], $0x80, v8, vm0, $0xb8;
	[tilespmem:$0x10400] =	vst v63  }
0x52: {  	_ = 	snop  }
0x53: {  	[tilespmem:s22], [sflag:$0x1] =	stream.indirect_vreg.gather [hbm4b:s4+s3], $0x80, v8, vm0, $0xb8;
	[tilespmem:$0x10400] =	vst v63  }
0x54: {  	v8 =	vld [tilespmem:$0x220];
	_ =	sdelay $0x4  }
0x55: {  	v12 =	vshll.u32 v8, $0x2  }
0x56: {  	v8 =	vand.u32 $0x7, v8;
	v9 =	vand.u32 $0xFFFFFFE0, v12  }
0x57: {  	v8 =	vor.u32 v8, v9  }
0x58: {  	v9 =	vperm.xlane v8, v1;
	_ =	sdelay $0x1  }
0x59: {  	v9 =	vadd.s32 v2, v9;
	_ =	sdelay $0x1  }
0x5a: {  	v8 =	vperm.xlane v8, v3;
	_ =	sdelay $0x1  }
0x5b: {  	v8 =	vadd.s32 v2, v8  }
0x5c: {  	[tilespmem:s24], [sflag:$0x1] =	stream.indirect_vreg.gather [hbm4b:s1+s3], $0x80, v9, vm0, $0xb8;
	[tilespmem:$0x10400] =	vst v63  }
0x5d: {  	_ = 	snop  }
0x5e: {  	[tilespmem:s25], [sflag:$0x1] =	stream.indirect_vreg.gather [hbm4b:s4+s3], $0x80, v9, vm0, $0xb8;
	[tilespmem:$0x10400] =	vst v63  }
0x5f: {  	_ = 	snop  }
0x60: {  	[tilespmem:s26], [sflag:$0x1] =	stream.indirect_vreg.gather [hbm4b:s1+s3], $0x80, v8, vm0, $0xb8;
	[tilespmem:$0x10400] =	vst v63  }
0x61: {  	_ = 	snop  }
0x62: {  	[tilespmem:s28], [sflag:$0x1] =	stream.indirect_vreg.gather [hbm4b:s4+s3], $0x80, v8, vm0, $0xb8;
	[tilespmem:$0x10400] =	vst v63  }
0x63: {  	v8 =	vld [tilespmem:$0x230];
	_ =	sdelay $0x4  }
0x64: {  	v13 =	vshll.u32 v8, $0x2  }
0x65: {  	v8 =	vand.u32 $0x7, v8;
	v9 =	vand.u32 $0xFFFFFFE0, v13  }
0x66: {  	v8 =	vor.u32 v8, v9  }
0x67: {  	v9 =	vperm.xlane v8, v1;
	_ =	sdelay $0x1  }
0x68: {  	v9 =	vadd.s32 v2, v9;
	_ =	sdelay $0x1  }
0x69: {  	v8 =	vperm.xlane v8, v3;
	_ =	sdelay $0x1  }
0x6a: {  	v8 =	vadd.s32 v2, v8  }
0x6b: {  	[tilespmem:s29], [sflag:$0x1] =	stream.indirect_vreg.gather [hbm4b:s1+s3], $0x80, v9, vm0, $0xb8;
	[tilespmem:$0x10400] =	vst v63  }
0x6c: {  	_ = 	snop  }
0x6d: {  	[tilespmem:s30], [sflag:$0x1] =	stream.indirect_vreg.gather [hbm4b:s4+s3], $0x80, v9, vm0, $0xb8;
	[tilespmem:$0x10400] =	vst v63  }
0x6e: {  	_ = 	snop  }
0x6f: {  	[tilespmem:s31], [sflag:$0x1] =	stream.indirect_vreg.gather [hbm4b:s1+s3], $0x80, v8, vm0, $0xb8;
	[tilespmem:$0x10400] =	vst v63  }
0x70: {  	s2 =	simm.s32 $0x7B00  }
0x71: {  	[tilespmem:s2], [sflag:$0x1] =	stream.indirect_vreg.gather [hbm4b:s4+s3], $0x80, v8, vm0, $0xb8;
	[tilespmem:$0x10400] =	vst v63  }
0x72: {  	v8 =	vld [tilespmem:$0x240];
	_ =	sdelay $0x4  }
0x73: {  	v14 =	vshll.u32 v8, $0x2  }
0x74: {  	v8 =	vand.u32 $0x7, v8;
	v9 =	vand.u32 $0xFFFFFFE0, v14  }
0x75: {  	v8 =	vor.u32 v8, v9  }
0x76: {  	v9 =	vperm.xlane v8, v1;
	_ =	sdelay $0x1  }
0x77: {  	v9 =	vadd.s32 v2, v9;
	_ =	sdelay $0x1  }
0x78: {  	v8 =	vperm.xlane v8, v3;
	_ =	sdelay $0x1  }
0x79: {  	v8 =	vadd.s32 v2, v8  }
0x7a: {  	[tilespmem:s23], [sflag:$0x2] =	stream.indirect_vreg.gather [hbm4b:s1+s3], $0x80, v9, vm0, $0xb8;
	[tilespmem:$0x10400] =	vst v63  }
0x7b: {  	s0 =	simm.s32 $0x8B00  }
0x7c: {  	[tilespmem:s0], [sflag:$0x2] =	stream.indirect_vreg.gather [hbm4b:s4+s3], $0x80, v9, vm0, $0xb8;
	[tilespmem:$0x10400] =	vst v63  }
0x7d: {  	s8 =	simm.s32 $0x9300  }
0x7e: {  	[tilespmem:s8], [sflag:$0x2] =	stream.indirect_vreg.gather [hbm4b:s1+s3], $0x80, v8, vm0, $0xb8;
	[tilespmem:$0x10400] =	vst v63  }
0x7f: {  	_ = 	snop  }
0x80: {  	[tilespmem:s9], [sflag:$0x2] =	stream.indirect_vreg.gather [hbm4b:s4+s3], $0x80, v8, vm0, $0xb8;
	[tilespmem:$0x10400] =	vst v63  }
0x81: {  	v8 =	vld [tilespmem:$0x250];
	_ =	sdelay $0x4  }
0x82: {  	v15 =	vshll.u32 v8, $0x2  }
0x83: {  	v8 =	vand.u32 $0x7, v8;
	v9 =	vand.u32 $0xFFFFFFE0, v15  }
0x84: {  	v8 =	vor.u32 v8, v9  }
0x85: {  	v9 =	vperm.xlane v8, v1;
	_ =	sdelay $0x1  }
0x86: {  	v9 =	vadd.s32 v2, v9;
	_ =	sdelay $0x1  }
0x87: {  	v8 =	vperm.xlane v8, v3;
	_ =	sdelay $0x1  }
0x88: {  	v8 =	vadd.s32 v2, v8  }
0x89: {  	[tilespmem:s10], [sflag:$0x2] =	stream.indirect_vreg.gather [hbm4b:s1+s3], $0x80, v9, vm0, $0xb8;
	[tilespmem:$0x10400] =	vst v63  }
0x8a: {  	_ = 	snop  }
0x8b: {  	[tilespmem:s11], [sflag:$0x2] =	stream.indirect_vreg.gather [hbm4b:s4+s3], $0x80, v9, vm0, $0xb8;
	[tilespmem:$0x10400] =	vst v63  }
0x8c: {  	_ = 	snop  }
0x8d: {  	[tilespmem:s12], [sflag:$0x2] =	stream.indirect_vreg.gather [hbm4b:s1+s3], $0x80, v8, vm0, $0xb8;
	[tilespmem:$0x10400] =	vst v63  }
0x8e: {  	_ = 	snop  }
0x8f: {  	[tilespmem:s13], [sflag:$0x2] =	stream.indirect_vreg.gather [hbm4b:s4+s3], $0x80, v8, vm0, $0xb8;
	[tilespmem:$0x10400] =	vst v63  }
0x90: {  	v8 =	vld [tilespmem:$0x260];
	_ =	sdelay $0x4  }
0x91: {  	v16 =	vshll.u32 v8, $0x2  }
0x92: {  	v8 =	vand.u32 $0x7, v8;
	v9 =	vand.u32 $0xFFFFFFE0, v16  }
0x93: {  	v8 =	vor.u32 v8, v9  }
0x94: {  	v9 =	vperm.xlane v8, v1;
	_ =	sdelay $0x1  }
0x95: {  	v9 =	vadd.s32 v2, v9;
	_ =	sdelay $0x1  }
0x96: {  	v8 =	vperm.xlane v8, v3;
	_ =	sdelay $0x1  }
0x97: {  	v8 =	vadd.s32 v2, v8  }
0x98: {  	[tilespmem:s14], [sflag:$0x2] =	stream.indirect_vreg.gather [hbm4b:s1+s3], $0x80, v9, vm0, $0xb8;
	[tilespmem:$0x10400] =	vst v63  }
0x99: {  	_ = 	snop  }
0x9a: {  	[tilespmem:s15], [sflag:$0x2] =	stream.indirect_vreg.gather [hbm4b:s4+s3], $0x80, v9, vm0, $0xb8;
	[tilespmem:$0x10400] =	vst v63  }
0x9b: {  	s0 =	simm.s32 $0xD300  }
0x9c: {  	[tilespmem:s0], [sflag:$0x2] =	stream.indirect_vreg.gather [hbm4b:s1+s3], $0x80, v8, vm0, $0xb8;
	[tilespmem:$0x10400] =	vst v63  }
0x9d: {  	s0 =	simm.s32 $0xDB00  }
0x9e: {  	[tilespmem:s0], [sflag:$0x2] =	stream.indirect_vreg.gather [hbm4b:s4+s3], $0x80, v8, vm0, $0xb8;
	[tilespmem:$0x10400] =	vst v63  }
0x9f: {  	v8 =	vld [tilespmem:$0x270];
	_ =	sdelay $0x4  }
0xa0: {  	v17 =	vshll.u32 v8, $0x2  }
0xa1: {  	v8 =	vand.u32 $0x7, v8;
	v9 =	vand.u32 $0xFFFFFFE0, v17  }
0xa2: {  	v8 =	vor.u32 v8, v9  }
0xa3: {  	v9 =	vperm.xlane v8, v1;
	_ =	sdelay $0x1  }
0xa4: {  	v9 =	vadd.s32 v2, v9;
	_ =	sdelay $0x1  }
0xa5: {  	v8 =	vperm.xlane v8, v3;
	_ =	sdelay $0x1  }
0xa6: {  	s0 =	simm.s32 $0xE300;
	v8 =	vadd.s32 v2, v8  }
0xa7: {  	[tilespmem:s0], [sflag:$0x2] =	stream.indirect_vreg.gather [hbm4b:s1+s3], $0x80, v9, vm0, $0xb8;
	[tilespmem:$0x10400] =	vst v63  }
0xa8: {  	s0 =	simm.s32 $0xEB00  }
0xa9: {  	[tilespmem:s0], [sflag:$0x2] =	stream.indirect_vreg.gather [hbm4b:s4+s3], $0x80, v9, vm0, $0xb8;
	[tilespmem:$0x10400] =	vst v63  }
0xaa: {  	s0 =	simm.s32 $0xF300  }
0xab: {  	[tilespmem:s0], [sflag:$0x2] =	stream.indirect_vreg.gather [hbm4b:s1+s3], $0x80, v8, vm0, $0xb8;
	[tilespmem:$0x10400] =	vst v63  }
0xac: {  	s0 =	simm.s32 $0xFB00  }
0xad: {  	[tilespmem:s0], [sflag:$0x2] =	stream.indirect_vreg.gather [hbm4b:s4+s3], $0x80, v8, vm0, $0xb8;
	[tilespmem:$0x10400] =	vst v63  }
0xae: {  	s0 =	simm.s32 $0x1  }
0xaf: {  	_ =	swait.ge [sflag:s0], $0x8000  }
0xb0: {  	[sflag:s0] =	ssyncset.done $0x0  }
0xb1: {  	[sflag:s0] =	ssyncadd.s32 $0xFFFF8000  }
0xb2: {  	v8 =	vld [tilespmem:$0x0];
	_ =	sdelay $0x4  }
0xb3: {  	v18 =	vshll.u32 v8, $0x3  }
0xb4: {  	v19 =	vld [tilespmem:$0x10];
	v8 =	vand.u32 $0x7F, v8;
	v9 =	vand.u32 $0xFFFFFC00, v18  }
0xb5: {  	v8 =	vor.u32 v8, v9  }
0xb6: {  	v8 =	vadd.s32 v4, v8;
	_ =	sdelay $0x2  }
0xb7: {  	v20 =	vshll.u32 v19, $0x3  }
0xb8: {  	v21 =	vld [tilespmem:$0x20];
	v10 =	vand.u32 $0x7F, v19;
	v9 =	vand.u32 $0xFFFFFC00, v20  }
0xb9: {  	v9 =	vor.u32 v10, v9;
	v8 =	vld.idx.msk [tilespmem:v8+s7+$0x0], $0xffff  }
0xba: {  	v9 =	vadd.s32 v5, v9;
	_ =	sdelay $0x2  }
0xbb: {  	v22 =	vshll.u32 v21, $0x3  }
0xbc: {  	v23 =	vld [tilespmem:$0x30];
	v10 =	vand.u32 $0xFFFFFC00, v22;
	[tilespmem:$0x10300] =	vst v8;
	v8 =	vand.u32 $0x7F, v21  }
0xbd: {  	v9 =	vld.idx.msk [tilespmem:v9+s7+$0x0], $0xffff;
	v8 =	vor.u32 v8, v10  }
0xbe: {  	v8 =	vadd.s32 v6, v8;
	_ =	sdelay $0x1  }
0xbf: {  	v24 =	vld [tilespmem:$0x280]  }
0xc0: {  	v25 =	vshll.u32 v23, $0x3  }
0xc1: {  	v26 =	vand.u32 $0x7F, v23;
	v27 =	vand.u32 $0xFFFFFC00, v25;
	[tilespmem:$0x10310] =	vst v9  }
0xc2: {  	v9 =	vor.u32 v26, v27;
	v8 =	vld.idx.msk [tilespmem:v8+s7+$0x0], $0xffff  }
0xc3: {  	v9 =	vadd.s32 v7, v9  }
0xc4: {  	v28 =	vshll.u32 v24, $0x2  }
0xc5: {  	v11 =	vand.u32 $0xFFFFFFE0, v28;
	v10 =	vand.u32 $0x7, v24  }
0xc6: {  	v10 =	vor.u32 v10, v11  }
0xc7: {  	[tilespmem:$0x10320] =	vst v8;
	v8 =	vperm.xlane v10, v1  }
0xc8: {  	v9 =	vld.idx.msk [tilespmem:v9+s7+$0x0], $0xffff  }
0xc9: {  	v8 =	vadd.s32 v2, v8;
	_ =	sdelay $0x1  }
0xca: {  	v10 =	vperm.xlane v10, v3;
	_ =	sdelay $0x1  }
0xcb: {  	v29 =	vadd.s32 v2, v10;
	[tilespmem:$0x10330] =	vst v9  }
0xcc: {  	[tilespmem:s7], [sflag:$0x1] =	stream.indirect_vreg.gather [hbm4b:s1+s3], $0x80, v8, vm0, $0xb8;
	[tilespmem:$0x10400] =	vst v63  }
0xcd: {  	_ = 	snop  }
0xce: {  	[tilespmem:s16], [sflag:$0x1] =	stream.indirect_vreg.gather [hbm4b:s4+s3], $0x80, v8, vm0, $0xb8;
	[tilespmem:$0x10400] =	vst v63  }
0xcf: {  	_ = 	snop  }
0xd0: {  	[tilespmem:s17], [sflag:$0x1] =	stream.indirect_vreg.gather [hbm4b:s1+s3], $0x80, v29, vm0, $0xb8;
	[tilespmem:$0x10400] =	vst v63  }
0xd1: {  	_ = 	snop  }
0xd2: {  	[tilespmem:s18], [sflag:$0x1] =	stream.indirect_vreg.gather [hbm4b:s4+s3], $0x80, v29, vm0, $0xb8;
	[tilespmem:$0x10400] =	vst v63  }
0xd3: {  	v8 =	vld [tilespmem:$0x290];
	_ =	sdelay $0x4  }
0xd4: {  	v30 =	vshll.u32 v8, $0x2  }
0xd5: {  	v8 =	vand.u32 $0x7, v8;
	v9 =	vand.u32 $0xFFFFFFE0, v30  }
0xd6: {  	v8 =	vor.u32 v8, v9  }
0xd7: {  	v9 =	vperm.xlane v8, v1;
	_ =	sdelay $0x1  }
0xd8: {  	v9 =	vadd.s32 v2, v9;
	_ =	sdelay $0x1  }
0xd9: {  	v8 =	vperm.xlane v8, v3;
	_ =	sdelay $0x1  }
0xda: {  	v8 =	vadd.s32 v2, v8  }
0xdb: {  	[tilespmem:s19], [sflag:$0x1] =	stream.indirect_vreg.gather [hbm4b:s1+s3], $0x80, v9, vm0, $0xb8;
	[tilespmem:$0x10400] =	vst v63  }
0xdc: {  	_ = 	snop  }
0xdd: {  	[tilespmem:s20], [sflag:$0x1] =	stream.indirect_vreg.gather [hbm4b:s4+s3], $0x80, v9, vm0, $0xb8;
	[tilespmem:$0x10400] =	vst v63  }
0xde: {  	_ = 	snop  }
0xdf: {  	[tilespmem:s21], [sflag:$0x1] =	stream.indirect_vreg.gather [hbm4b:s1+s3], $0x80, v8, vm0, $0xb8;
	[tilespmem:$0x10400] =	vst v63  }
0xe0: {  	_ = 	snop  }
0xe1: {  	[tilespmem:s22], [sflag:$0x1] =	stream.indirect_vreg.gather [hbm4b:s4+s3], $0x80, v8, vm0, $0xb8;
	[tilespmem:$0x10400] =	vst v63  }
0xe2: {  	v8 =	vld [tilespmem:$0x2A0];
	_ =	sdelay $0x4  }
0xe3: {  	v31 =	vshll.u32 v8, $0x2  }
0xe4: {  	v8 =	vand.u32 $0x7, v8;
	v9 =	vand.u32 $0xFFFFFFE0, v31  }
0xe5: {  	v8 =	vor.u32 v8, v9  }
0xe6: {  	v9 =	vperm.xlane v8, v1;
	_ =	sdelay $0x1  }
0xe7: {  	v9 =	vadd.s32 v2, v9;
	_ =	sdelay $0x1  }
0xe8: {  	v8 =	vperm.xlane v8, v3;
	_ =	sdelay $0x1  }
0xe9: {  	v8 =	vadd.s32 v2, v8  }
0xea: {  	[tilespmem:s24], [sflag:$0x1] =	stream.indirect_vreg.gather [hbm4b:s1+s3], $0x80, v9, vm0, $0xb8;
	[tilespmem:$0x10400] =	vst v63  }
0xeb: {  	_ = 	snop  }
0xec: {  	[tilespmem:s25], [sflag:$0x1] =	stream.indirect_vreg.gather [hbm4b:s4+s3], $0x80, v9, vm0, $0xb8;
	[tilespmem:$0x10400] =	vst v63  }
0xed: {  	_ = 	snop  }
0xee: {  	[tilespmem:s26], [sflag:$0x1] =	stream.indirect_vreg.gather [hbm4b:s1+s3], $0x80, v8, vm0, $0xb8;
	[tilespmem:$0x10400] =	vst v63  }
0xef: {  	_ = 	snop  }
0xf0: {  	[tilespmem:s28], [sflag:$0x1] =	stream.indirect_vreg.gather [hbm4b:s4+s3], $0x80, v8, vm0, $0xb8;
	[tilespmem:$0x10400] =	vst v63  }
0xf1: {  	v8 =	vld [tilespmem:$0x2B0];
	_ =	sdelay $0x4  }
0xf2: {  	v32 =	vshll.u32 v8, $0x2  }
0xf3: {  	v8 =	vand.u32 $0x7, v8;
	v9 =	vand.u32 $0xFFFFFFE0, v32  }
0xf4: {  	v8 =	vor.u32 v8, v9  }
0xf5: {  	v9 =	vperm.xlane v8, v1;
	_ =	sdelay $0x1  }
0xf6: {  	v9 =	vadd.s32 v2, v9;
	_ =	sdelay $0x1  }
0xf7: {  	v8 =	vperm.xlane v8, v3;
	_ =	sdelay $0x1  }
0xf8: {  	v8 =	vadd.s32 v2, v8  }
0xf9: {  	[tilespmem:s29], [sflag:$0x1] =	stream.indirect_vreg.gather [hbm4b:s1+s3], $0x80, v9, vm0, $0xb8;
	[tilespmem:$0x10400] =	vst v63  }
0xfa: {  	_ = 	snop  }
0xfb: {  	[tilespmem:s30], [sflag:$0x1] =	stream.indirect_vreg.gather [hbm4b:s4+s3], $0x80, v9, vm0, $0xb8;
	[tilespmem:$0x10400] =	vst v63  }
0xfc: {  	_ = 	snop  }
0xfd: {  	[tilespmem:s31], [sflag:$0x1] =	stream.indirect_vreg.gather [hbm4b:s1+s3], $0x80, v8, vm0, $0xb8;
	[tilespmem:$0x10400] =	vst v63  }
0xfe: {  	_ = 	snop  }
0xff: {  	[tilespmem:s2], [sflag:$0x1] =	stream.indirect_vreg.gather [hbm4b:s4+s3], $0x80, v8, vm0, $0xb8;
	[tilespmem:$0x10400] =	vst v63  }
0x100: {  	s2 =	simm.s32 $0x2  }
0x101: {  	_ =	swait.ge [sflag:s2], $0x8000  }
0x102: {  	[sflag:s2] =	ssyncset.done $0x0  }
0x103: {  	[sflag:s2] =	ssyncadd.s32 $0xFFFF8000  }
0x104: {  	v8 =	vld [tilespmem:$0x40];
	_ =	sdelay $0x4  }
0x105: {  	v33 =	vshll.u32 v8, $0x3  }
0x106: {  	v34 =	vld [tilespmem:$0x50];
	v8 =	vand.u32 $0x7F, v8;
	v9 =	vand.u32 $0xFFFFFC00, v33  }
0x107: {  	v8 =	vor.u32 v8, v9  }
0x108: {  	v8 =	vadd.s32 v4, v8;
	_ =	sdelay $0x2  }
0x109: {  	v35 =	vshll.u32 v34, $0x3  }
0x10a: {  	v36 =	vld [tilespmem:$0x60];
	v10 =	vand.u32 $0x7F, v34;
	v9 =	vand.u32 $0xFFFFFC00, v35  }
0x10b: {  	v9 =	vor.u32 v10, v9;
	v8 =	vld.idx.msk [tilespmem:v8+s23+$0x0], $0xffff  }
0x10c: {  	v9 =	vadd.s32 v5, v9;
	_ =	sdelay $0x2  }
0x10d: {  	v37 =	vshll.u32 v36, $0x3  }
0x10e: {  	v38 =	vld [tilespmem:$0x70];
	v10 =	vand.u32 $0xFFFFFC00, v37;
	[tilespmem:$0x10340] =	vst v8;
	v8 =	vand.u32 $0x7F, v36  }
0x10f: {  	v9 =	vld.idx.msk [tilespmem:v9+s23+$0x0], $0xffff;
	v8 =	vor.u32 v8, v10  }
0x110: {  	v8 =	vadd.s32 v6, v8;
	_ =	sdelay $0x1  }
0x111: {  	v39 =	vld [tilespmem:$0x2C0]  }
0x112: {  	v40 =	vshll.u32 v38, $0x3  }
0x113: {  	v41 =	vand.u32 $0x7F, v38;
	v42 =	vand.u32 $0xFFFFFC00, v40;
	[tilespmem:$0x10350] =	vst v9  }
0x114: {  	v9 =	vor.u32 v41, v42;
	v8 =	vld.idx.msk [tilespmem:v8+s23+$0x0], $0xffff  }
0x115: {  	v9 =	vadd.s32 v7, v9  }
0x116: {  	v43 =	vshll.u32 v39, $0x2  }
0x117: {  	v11 =	vand.u32 $0xFFFFFFE0, v43;
	v10 =	vand.u32 $0x7, v39  }
0x118: {  	v10 =	vor.u32 v10, v11  }
0x119: {  	[tilespmem:$0x10360] =	vst v8;
	v8 =	vperm.xlane v10, v1  }
0x11a: {  	v9 =	vld.idx.msk [tilespmem:v9+s23+$0x0], $0xffff  }
0x11b: {  	v8 =	vadd.s32 v2, v8;
	_ =	sdelay $0x1  }
0x11c: {  	v10 =	vperm.xlane v10, v3;
	_ =	sdelay $0x1  }
0x11d: {  	v44 =	vadd.s32 v2, v10;
	[tilespmem:$0x10370] =	vst v9  }
0x11e: {  	[tilespmem:s23], [sflag:$0x2] =	stream.indirect_vreg.gather [hbm4b:s1+s3], $0x80, v8, vm0, $0xb8;
	[tilespmem:$0x10400] =	vst v63  }
0x11f: {  	s17 =	simm.s32 $0x8B00  }
0x120: {  	[tilespmem:s17], [sflag:$0x2] =	stream.indirect_vreg.gather [hbm4b:s4+s3], $0x80, v8, vm0, $0xb8;
	[tilespmem:$0x10400] =	vst v63  }
0x121: {  	_ = 	snop  }
0x122: {  	[tilespmem:s8], [sflag:$0x2] =	stream.indirect_vreg.gather [hbm4b:s1+s3], $0x80, v44, vm0, $0xb8;
	[tilespmem:$0x10400] =	vst v63  }
0x123: {  	_ = 	snop  }
0x124: {  	[tilespmem:s9], [sflag:$0x2] =	stream.indirect_vreg.gather [hbm4b:s4+s3], $0x80, v44, vm0, $0xb8;
	[tilespmem:$0x10400] =	vst v63  }
0x125: {  	v8 =	vld [tilespmem:$0x2D0];
	_ =	sdelay $0x4  }
0x126: {  	v45 =	vshll.u32 v8, $0x2  }
0x127: {  	v8 =	vand.u32 $0x7, v8;
	v9 =	vand.u32 $0xFFFFFFE0, v45  }
0x128: {  	v8 =	vor.u32 v8, v9  }
0x129: {  	v9 =	vperm.xlane v8, v1;
	_ =	sdelay $0x1  }
0x12a: {  	v9 =	vadd.s32 v2, v9;
	_ =	sdelay $0x1  }
0x12b: {  	v8 =	vperm.xlane v8, v3;
	_ =	sdelay $0x1  }
0x12c: {  	v8 =	vadd.s32 v2, v8  }
0x12d: {  	[tilespmem:s10], [sflag:$0x2] =	stream.indirect_vreg.gather [hbm4b:s1+s3], $0x80, v9, vm0, $0xb8;
	[tilespmem:$0x10400] =	vst v63  }
0x12e: {  	_ = 	snop  }
0x12f: {  	[tilespmem:s11], [sflag:$0x2] =	stream.indirect_vreg.gather [hbm4b:s4+s3], $0x80, v9, vm0, $0xb8;
	[tilespmem:$0x10400] =	vst v63  }
0x130: {  	_ = 	snop  }
0x131: {  	[tilespmem:s12], [sflag:$0x2] =	stream.indirect_vreg.gather [hbm4b:s1+s3], $0x80, v8, vm0, $0xb8;
	[tilespmem:$0x10400] =	vst v63  }
0x132: {  	_ = 	snop  }
0x133: {  	[tilespmem:s13], [sflag:$0x2] =	stream.indirect_vreg.gather [hbm4b:s4+s3], $0x80, v8, vm0, $0xb8;
	[tilespmem:$0x10400] =	vst v63  }
0x134: {  	v8 =	vld [tilespmem:$0x2E0];
	_ =	sdelay $0x4  }
0x135: {  	v46 =	vshll.u32 v8, $0x2  }
0x136: {  	v8 =	vand.u32 $0x7, v8;
	v9 =	vand.u32 $0xFFFFFFE0, v46  }
0x137: {  	v8 =	vor.u32 v8, v9  }
0x138: {  	v9 =	vperm.xlane v8, v1;
	_ =	sdelay $0x1  }
0x139: {  	v9 =	vadd.s32 v2, v9;
	_ =	sdelay $0x1  }
0x13a: {  	v8 =	vperm.xlane v8, v3;
	_ =	sdelay $0x1  }
0x13b: {  	v8 =	vadd.s32 v2, v8  }
0x13c: {  	[tilespmem:s14], [sflag:$0x2] =	stream.indirect_vreg.gather [hbm4b:s1+s3], $0x80, v9, vm0, $0xb8;
	[tilespmem:$0x10400] =	vst v63  }
0x13d: {  	_ = 	snop  }
0x13e: {  	[tilespmem:s15], [sflag:$0x2] =	stream.indirect_vreg.gather [hbm4b:s4+s3], $0x80, v9, vm0, $0xb8;
	[tilespmem:$0x10400] =	vst v63  }
0x13f: {  	s16 =	simm.s32 $0xD300  }
0x140: {  	[tilespmem:s16], [sflag:$0x2] =	stream.indirect_vreg.gather [hbm4b:s1+s3], $0x80, v8, vm0, $0xb8;
	[tilespmem:$0x10400] =	vst v63  }
0x141: {  	s17 =	simm.s32 $0xDB00  }
0x142: {  	[tilespmem:s17], [sflag:$0x2] =	stream.indirect_vreg.gather [hbm4b:s4+s3], $0x80, v8, vm0, $0xb8;
	[tilespmem:$0x10400] =	vst v63  }
0x143: {  	v8 =	vld [tilespmem:$0x2F0];
	_ =	sdelay $0x4  }
0x144: {  	v47 =	vshll.u32 v8, $0x2  }
0x145: {  	v8 =	vand.u32 $0x7, v8;
	v9 =	vand.u32 $0xFFFFFFE0, v47  }
0x146: {  	v8 =	vor.u32 v8, v9  }
0x147: {  	v9 =	vperm.xlane v8, v1;
	_ =	sdelay $0x1  }
0x148: {  	v9 =	vadd.s32 v2, v9;
	_ =	sdelay $0x1  }
0x149: {  	v8 =	vperm.xlane v8, v3;
	_ =	sdelay $0x1  }
0x14a: {  	s16 =	simm.s32 $0xE300;
	v8 =	vadd.s32 v2, v8  }
0x14b: {  	[tilespmem:s16], [sflag:$0x2] =	stream.indirect_vreg.gather [hbm4b:s1+s3], $0x80, v9, vm0, $0xb8;
	[tilespmem:$0x10400] =	vst v63  }
0x14c: {  	s17 =	simm.s32 $0xEB00  }
0x14d: {  	[tilespmem:s17], [sflag:$0x2] =	stream.indirect_vreg.gather [hbm4b:s4+s3], $0x80, v9, vm0, $0xb8;
	[tilespmem:$0x10400] =	vst v63  }
0x14e: {  	s16 =	simm.s32 $0xF300  }
0x14f: {  	[tilespmem:s16], [sflag:$0x2] =	stream.indirect_vreg.gather [hbm4b:s1+s3], $0x80, v8, vm0, $0xb8;
	[tilespmem:$0x10400] =	vst v63  }
0x150: {  	s17 =	simm.s32 $0xFB00  }
0x151: {  	[tilespmem:s17], [sflag:$0x2] =	stream.indirect_vreg.gather [hbm4b:s4+s3], $0x80, v8, vm0, $0xb8;
	[tilespmem:$0x10400] =	vst v63  }
0x152: {  	_ =	swait.ge [sflag:s0], $0x8000  }
0x153: {  	[sflag:s0] =	ssyncset.done $0x0  }
0x154: {  	[sflag:s0] =	ssyncadd.s32 $0xFFFF8000  }
0x155: {  	v8 =	vld [tilespmem:$0x80];
	_ =	sdelay $0x4  }
0x156: {  	v48 =	vshll.u32 v8, $0x3  }
0x157: {  	v49 =	vld [tilespmem:$0x90];
	v8 =	vand.u32 $0x7F, v8;
	v9 =	vand.u32 $0xFFFFFC00, v48  }
0x158: {  	v8 =	vor.u32 v8, v9  }
0x159: {  	v8 =	vadd.s32 v4, v8;
	_ =	sdelay $0x2  }
0x15a: {  	v50 =	vshll.u32 v49, $0x3  }
0x15b: {  	v51 =	vld [tilespmem:$0xA0];
	v10 =	vand.u32 $0x7F, v49;
	v9 =	vand.u32 $0xFFFFFC00, v50  }
0x15c: {  	v9 =	vor.u32 v10, v9;
	v8 =	vld.idx.msk [tilespmem:v8+s7+$0x0], $0xffff  }
0x15d: {  	v9 =	vadd.s32 v5, v9;
	_ =	sdelay $0x2  }
0x15e: {  	v52 =	vshll.u32 v51, $0x3  }
0x15f: {  	v53 =	vld [tilespmem:$0xB0];
	v10 =	vand.u32 $0xFFFFFC00, v52;
	[tilespmem:$0x10380] =	vst v8;
	v8 =	vand.u32 $0x7F, v51  }
0x160: {  	v9 =	vld.idx.msk [tilespmem:v9+s7+$0x0], $0xffff;
	v8 =	vor.u32 v8, v10  }
0x161: {  	v8 =	vadd.s32 v6, v8;
	_ =	sdelay $0x2  }
0x162: {  	v54 =	vshll.u32 v53, $0x3  }
0x163: {  	v55 =	vand.u32 $0x7F, v53;
	v10 =	vand.u32 $0xFFFFFC00, v54;
	[tilespmem:$0x10390] =	vst v9  }
0x164: {  	v9 =	vor.u32 v55, v10;
	v8 =	vld.idx.msk [tilespmem:v8+s7+$0x0], $0xffff  }
0x165: {  	v9 =	vadd.s32 v7, v9;
	_ =	sdelay $0x3  }
0x166: {  	[tilespmem:$0x103A0] =	vst v8  }
0x167: {  	v8 =	vld.idx.msk [tilespmem:v9+s7+$0x0], $0xffff;
	_ =	sdelay $0x4  }
0x168: {  	[tilespmem:$0x103B0] =	vst v8  }
0x169: {  	_ =	swait.ge [sflag:s2], $0x8000  }
0x16a: {  	[sflag:s2] =	ssyncset.done $0x0  }
0x16b: {  	[sflag:s2] =	ssyncadd.s32 $0xFFFF8000  }
0x16c: {  	v8 =	vld [tilespmem:$0xC0];
	_ =	sdelay $0x4  }
0x16d: {  	v56 =	vshll.u32 v8, $0x3  }
0x16e: {  	v57 =	vld [tilespmem:$0xD0];
	v8 =	vand.u32 $0x7F, v8;
	v9 =	vand.u32 $0xFFFFFC00, v56  }
0x16f: {  	v8 =	vor.u32 v8, v9  }
0x170: {  	v8 =	vadd.s32 v4, v8;
	_ =	sdelay $0x2  }
0x171: {  	v58 =	vshll.u32 v57, $0x3  }
0x172: {  	v59 =	vld [tilespmem:$0xE0];
	v10 =	vand.u32 $0x7F, v57;
	v9 =	vand.u32 $0xFFFFFC00, v58  }
0x173: {  	v9 =	vor.u32 v10, v9;
	v8 =	vld.idx.msk [tilespmem:v8+s23+$0x0], $0xffff  }
0x174: {  	v9 =	vadd.s32 v5, v9;
	_ =	sdelay $0x2  }
0x175: {  	v60 =	vshll.u32 v59, $0x3  }
0x176: {  	v61 =	vld [tilespmem:$0xF0];
	v10 =	vand.u32 $0xFFFFFC00, v60;
	[tilespmem:$0x103C0] =	vst v8;
	v8 =	vand.u32 $0x7F, v59  }
0x177: {  	v9 =	vld.idx.msk [tilespmem:v9+s23+$0x0], $0xffff;
	v8 =	vor.u32 v8, v10  }
0x178: {  	v8 =	vadd.s32 v6, v8;
	_ =	sdelay $0x2  }
0x179: {  	v62 =	vshll.u32 v61, $0x3  }
0x17a: {  	v63 =	vand.u32 $0x7F, v61;
	v10 =	vand.u32 $0xFFFFFC00, v62;
	[tilespmem:$0x103D0] =	vst v9  }
0x17b: {  	v9 =	vor.u32 v63, v10;
	v8 =	vld.idx.msk [tilespmem:v8+s23+$0x0], $0xffff  }
0x17c: {  	v9 =	vadd.s32 v7, v9;
	_ =	sdelay $0x3  }
0x17d: {  	[tilespmem:$0x103E0] =	vst v8  }
0x17e: {  	v8 =	vld.idx.msk [tilespmem:v9+s23+$0x0], $0xffff;
	_ =	sdelay $0x3  }
0x17f: {  	p0 =	sne.s32 s5, $0x1;
	s8 =	rddreg [dreg:$0x7]  }
.Ltmp0:
0x180: {  	s2 =	rddreg [dreg:$0x3];
	[tilespmem:$0x103F0] =	vst v8;
	(pc) =	sbr.rel @p0 .LBB2_1-.Ltmp0, $4  }
0x181: {  	[hbm4b:s2+s3] =	stream.linear.scatter [tilespmem:s8], [sflag:$0x3], $0x100, $0x38;
	[tilespmem:$0x10400] =	vst v63  }
0x182: {  	_ =	swait.ge [sflag:s6], $0x100  }
0x183: {  	[sflag:s6] =	ssyncset.done $0x0  }
0x184: {  	s5 =	sadd.s32 $0xFFFFFFFF, s5;
	[sflag:s6] =	ssyncadd.s32 $0xFFFFFF00  }
0x185: {  	_ =	sfence.sel $0x180000  }
0x186: {  	[bflag:$0x0] =	sbarrier.arrive $0xFFFF  }
0x187: {  	_ =	strace $0x90000047  }
0x188: {  	s0 =	stileid.u32;
	[bflag:$0x2] =	sbarrier.arrive $0xFFFF  }
0x189: {  	p0 =	sne.s32 s0, $0x0;
	s0 =	rddreg [dreg:$0x2]  }
0x18a: {  	s0 =	sadd.s32 @!p0 $0x100000, s0  }
0x18b: {  	[sflag:s0] =	ssyncadd.tile.s32 @!p0 $0x1;
	_ =	shalt  }
.Lfunc_end2:
_tile_overlayer_lowered:
.L_overlay_start_2:
0x18c: {  	(tag) =	ssettag $0x2  }
0x18d: {  	s0 =	rddreg [dreg:$0x0];
	s2 =	stileid.u32  }
0x18e: {  	s1 =	rddreg [dreg:$0x1];
	p0 =	sne.s32 s2, $0x0  }
0x18f: {  	s3 =	rddreg [dreg:$0x2];
	[bflag:$0x3] =	sbarrier.arrive $0xFFFF;
	s2 =	simm.s32 @!p0 $0x1C03  }
0x190: {  	[timem:s3], [sflag:s2] =	dma.local @!p0 [hbm:s0], s1  }
0x191: {  	s0 =	simm.s32 @!p0 $0x3  }
0x192: {  	_ =	swait.ge @!p0 [sflag:s0], s1  }
0x193: {  	s1 =	ssub.s32 @!p0 $0x0, s1;
	[sflag:s0] =	ssyncset.done @!p0 $0x0  }
0x194: {  	[sflag:s0] =	ssyncadd.s32 @!p0 s1  }
0x195: {  	[bflag:$0x3] =	sbarrier.arrive $0xFFFF  }
0x196: {  	_ =	shalt  }

</sc_bundles>
